<compile_context>
chip_gen: v7x
topology: tpu7x:2x2x1
jax: 0.10.2.dev20260603
libtpu: 0.0.44.dev20260713+nightly
codegen_flags: <defaults>
</compile_context>

<pallas_src>
import numpy as np
import jax
import jax.numpy as jnp
from jax import lax
from jax.experimental import pallas as pl
from jax.experimental.pallas import tpu as pltpu
from jax.experimental.pallas import tpu_sc as plsc

VOCAB = 100000
SEED = 42
PRIOR = 4
NTILE = 32
SC_SPAN = 24576
CHUNK = 768
NVEC = CHUNK // 16
LAST_BASE = SC_SPAN - CHUNK
PAD_VOCAB = 102400
ROW_BLK = 8 * 512
TC_ROW0 = SC_SPAN // ROW_BLK
TC_G = PAD_VOCAB // ROW_BLK - TC_ROW0

_ROT_A = (13, 15, 26, 6)
_ROT_B = (17, 29, 16, 24)


def _np_threefry(k0, k1, x0, x1):
    k0 = np.uint32(k0); k1 = np.uint32(k1)
    ks2 = np.uint32(k0 ^ k1 ^ np.uint32(0x1BD11BDA))
    ks = [k0, k1, ks2]
    x0 = (np.asarray([x0], np.uint32) + k0).astype(np.uint32)
    x1 = (np.asarray([x1], np.uint32) + k1).astype(np.uint32)
    for d in range(5):
        for r in (_ROT_A if d % 2 == 0 else _ROT_B):
            x0 = (x0 + x1).astype(np.uint32)
            x1 = ((x1 << np.uint32(r)) | (x1 >> np.uint32(32 - r))).astype(np.uint32)
            x1 = (x1 ^ x0).astype(np.uint32)
        x0 = (x0 + ks[(d + 1) % 3]).astype(np.uint32)
        x1 = (x1 + ks[(d + 2) % 3] + np.uint32(d + 1)).astype(np.uint32)
    return x0[0], x1[0]

_FK0, _FK1 = _np_threefry(0, SEED, 0, 0)
_FK0 = int(_FK0); _FK1 = int(_FK1)


def _rotl(x, r):
    return (x << jnp.uint32(r)) | (x >> jnp.uint32(32 - r))


def _key_schedule(k0, k1):
    ks2 = k0 ^ k1 ^ jnp.uint32(0x1BD11BDA)
    ks = (k0, k1, ks2)
    inj = [(k0, k1)]
    for d in range(5):
        inj.append((ks[(d + 1) % 3], ks[(d + 2) % 3] + jnp.uint32(d + 1)))
    return inj


def _cipher(inj, x0, x1):
    x0 = x0 + inj[0][0]
    x1 = x1 + inj[0][1]
    for d in range(5):
        for r in (_ROT_A if d % 2 == 0 else _ROT_B):
            x0 = x0 + x1
            x1 = _rotl(x1, r)
            x1 = x1 ^ x0
        x0 = x0 + inj[d + 1][0]
        x1 = x1 + inj[d + 1][1]
    return x0, x1


_SQRT2 = 1.4142135
_LN2 = 0.6931471805599453


def _flog(x):
    bits = lax.bitcast_convert_type(x, jnp.uint32)
    e = (bits >> jnp.uint32(23)).astype(jnp.int32) - 127
    m = lax.bitcast_convert_type(
        (bits & jnp.uint32(0x7FFFFF)) | jnp.uint32(0x3F800000), jnp.float32)
    big = m >= _SQRT2
    m = jnp.where(big, m * 0.5, m)
    e = e + jnp.where(big, 1, 0)
    z = (m - 1.0) / (m + 1.0)
    z2 = z * z
    p = 0.22222222
    for c in (0.28571429, 0.4, 0.66666667, 2.0):
        p = p * z2 + c
    return e.astype(jnp.float32) * _LN2 + z * p


def _score_kernel(ids_hbm, logits_hbm, part_hbm, ids_v, log_v,
                  val_v, idx_v):
    nc = 2
    wid = lax.axis_index("s") * nc + lax.axis_index("c")
    base = pl.multiple_of(jnp.where(wid == NTILE - 1, LAST_BASE, wid * CHUNK), 8)
    pltpu.sync_copy(ids_hbm.at[0, pl.ds(2048 - 16, 16)], ids_v)
    pltpu.sync_copy(logits_hbm.at[pl.ds(base, CHUNK)], log_v)

    iota = lax.iota(jnp.int32, 16)
    ids = ids_v[...]
    prior = jnp.sum(jnp.where(iota >= 16 - PRIOR, ids, 0))

    pv = jnp.broadcast_to(prior.astype(jnp.uint32), (16,))
    zero_v = jnp.zeros((16,), jnp.uint32)
    inj0 = _key_schedule(jnp.uint32(_FK0), jnp.uint32(_FK1))
    k0v, k1v = _cipher(inj0, zero_v, pv)
    inj = _key_schedule(k0v, k1v)

    big_s = jnp.full((16,), 3e38, jnp.float32)
    UNROLL = 2

    def body(j, carry):
        vmin, vidx = carry
        for q in range(UNROLL):
            gbase = base + (j * UNROLL + q) * 16
            idxv = gbase + iota
            x1 = idxv.astype(jnp.uint32)
            o0, o1 = _cipher(inj, zero_v, x1)
            ubits = o0 ^ o1
            u = lax.bitcast_convert_type(
                (ubits >> jnp.uint32(9)) | jnp.uint32(0x3F800000),
                jnp.float32) - 1.0
            logu = _flog(jnp.where(u == 0.0, 1.0, u))
            s = _flog(0.0 - logu) - log_v[pl.ds((j * UNROLL + q) * 16, 16)]
            s = jnp.where(u == 0.0, big_s, s)
            upd = s < vmin
            vmin = jnp.where(upd, s, vmin)
            vidx = jnp.where(upd, idxv, vidx)
        return vmin, vidx

    vmin, vidx = lax.fori_loop(0, NVEC // UNROLL, body,
                               (big_s, jnp.zeros((16,), jnp.int32)))

    m = jnp.min(vmin)
    cand = jnp.where(vmin == m, vidx, jnp.int32(2 ** 30))
    mi = jnp.min(cand)
    val_v[...] = jnp.broadcast_to(m, (16,))
    idx_v[...] = jnp.broadcast_to(mi.astype(jnp.float32), (16,))
    pltpu.sync_copy(val_v, part_hbm.at[pl.ds(wid * 16, 16)])
    pltpu.sync_copy(idx_v, part_hbm.at[pl.ds(512 + wid * 16, 16)])


def _tc_score_kernel(ids_ref, logits_ref, out_ref):
    ids = ids_ref[0, pl.ds(2048 - PRIOR, PRIOR)]
    prior = jnp.sum(ids)
    inj0 = _key_schedule(jnp.uint32(_FK0), jnp.uint32(_FK1))
    k0, k1 = _cipher(inj0, jnp.uint32(0), prior.astype(jnp.uint32))
    inj = _key_schedule(k0, k1)

    shape = (TC_G, 8, 512)
    col = (SC_SPAN
           + lax.broadcasted_iota(jnp.int32, shape, 0) * ROW_BLK
           + lax.broadcasted_iota(jnp.int32, shape, 1) * 512
           + lax.broadcasted_iota(jnp.int32, shape, 2))
    o0, o1 = _cipher(inj, jnp.zeros(shape, jnp.uint32), col.astype(jnp.uint32))
    u = lax.bitcast_convert_type(
        ((o0 ^ o1) >> jnp.uint32(9)) | jnp.uint32(0x3F800000),
        jnp.float32) - 1.0
    s = jnp.log(0.0 - jnp.log(u)) - logits_ref[...]
    m = jnp.min(s)
    mi = jnp.min(jnp.where(s == m, col, jnp.int32(2 ** 30)))
    lane = lax.broadcasted_iota(jnp.int32, (1, 128), 1)
    out_ref[...] = jnp.where(lane == 0, m,
                             jnp.where(lane == 1, mi.astype(jnp.float32), 0.0))


def _emit_kernel(part_ref, tc_ref, out_ref):
    vals = part_ref[pl.ds(0, 512)]
    idxs = part_ref[pl.ds(512, 512)]
    m = jnp.min(vals)
    gidx = jnp.min(jnp.where(vals == m, idxs, 3e38)).astype(jnp.int32)
    tc_m = tc_ref[0, 0]
    tc_i = tc_ref[0, 1].astype(jnp.int32)
    gidx = jnp.where(tc_m < m, tc_i, gidx)
    col = lax.broadcasted_iota(jnp.int32, (1, VOCAB), 1)
    out_ref[...] = jnp.where(col == gidx, 100000.0, -100000.0)


def kernel(input_ids, logits):
    mesh = plsc.VectorSubcoreMesh(core_axis_name="c", subcore_axis_name="s")

    score = pl.kernel(
        _score_kernel,
        out_type=jax.ShapeDtypeStruct((NTILE * 32,), jnp.float32),
        mesh=mesh,
        scratch_types=[
            pltpu.VMEM((16,), jnp.int32),
            pltpu.VMEM((CHUNK,), jnp.float32),
            pltpu.VMEM((16,), jnp.float32),
            pltpu.VMEM((16,), jnp.float32),
        ],
        compiler_params=pltpu.CompilerParams(
            needs_layout_passes=False, use_tc_tiling_on_sc=False),
    )
    logits_sc = logits[0, :SC_SPAN]
    partials = score(input_ids, logits_sc)

    logits_tc = jnp.concatenate(
        [logits[0, SC_SPAN:], jnp.full((PAD_VOCAB - VOCAB,), -3e38,
                                       jnp.float32)]
    ).reshape(TC_G, 8, 512)
    tc_part = pl.pallas_call(
        _tc_score_kernel,
        out_shape=jax.ShapeDtypeStruct((1, 128), jnp.float32),
        grid=(1,),
        in_specs=[pl.BlockSpec((1, 2048), lambda i: (0, 0)),
                  pl.BlockSpec((TC_G, 8, 512), lambda i: (0, 0, 0))],
        out_specs=pl.BlockSpec((1, 128), lambda i: (0, 0)),
    )(input_ids, logits_tc)

    out = pl.pallas_call(
        _emit_kernel,
        out_shape=jax.ShapeDtypeStruct((1, VOCAB), jnp.float32),
    )(partials, tc_part)
    return out

# --- scband reference (transcript-rebuilt; emitter-appended) ---
"""Pipeline reference for scband-exp-min-processor-60413009986254 (READ-ONLY COPY).

The authoritative reference and input builder live on the scoring server;
editing this copy changes nothing except your own understanding.
"""

import jax, jax.numpy as jnp
import numpy as np

VOCAB_SIZE = 100000
SEED = 42
PRIOR_TOKENS = 4
K = 8
SEQ_LEN = 2048


def _get_xi(prior_ids):
    # Deterministic stand-in for the sha256(prior_ids, hash_idx, seed)-seeded numpy RNG.
    # hash_idx is fixed to 0 (original draws it from a fresh, unseeded RNG -> nondeterministic).
    base = jax.random.key(SEED)
    k = jax.random.fold_in(jax.random.fold_in(base, 0), prior_ids)
    return jax.random.uniform(k, (VOCAB_SIZE,), dtype=jnp.float32)


def setup_inputs(seed: int = 0) -> dict:
    key = jax.random.key(seed)
    k1, k2 = jax.random.split(key)
    input_ids = jax.random.randint(k1, (1, SEQ_LEN), 0, VOCAB_SIZE)
    logits = jax.random.normal(k2, (1, VOCAB_SIZE), dtype=jnp.float32)
    return {"input_ids": input_ids, "logits": logits}


def reference(input_ids, logits):
    prior_ids = jnp.sum(input_ids[0, -PRIOR_TOKENS:])
    xi = _get_xi(prior_ids)
    probs = jax.nn.softmax(logits[0], axis=-1)
    next_token = jnp.argmin(-jnp.log(xi) / probs)
    out = jnp.full_like(logits, -100000.0)
    out = out.at[0, next_token].set(100000.0)
    return out

if __name__ == "__main__":
    import jax
    _d = setup_inputs()
    print(jax.jit(kernel)(*tuple(_d.values())))

</pallas_src>

<mosaic_0001>
#map = affine_map<(d0, d1) -> (0, 0)>
#map1 = affine_map<(d0, d1) -> (0)>
module attributes {stable_mosaic.version = 14 : i64} {
  func.func @_score_kernel(%arg0: i32, %arg1: i32, %arg2: memref<1x2048xi32, #tpu.memory_space<hbm>>, %arg3: memref<24576xf32, #tpu.memory_space<hbm>>, %arg4: memref<1024xf32, #tpu.memory_space<hbm>>, %arg5: memref<16xi32, #tpu.memory_space<vmem>>, %arg6: memref<768xf32, #tpu.memory_space<vmem>>, %arg7: memref<16xf32, #tpu.memory_space<vmem>>, %arg8: memref<16xf32, #tpu.memory_space<vmem>>) attributes {dimension_semantics = [#tpu.dimension_semantics<core_parallel>, #tpu.dimension_semantics<subcore_parallel>], iteration_bounds = array<i64: 2, 16>, scalar_prefetch = 0 : i64, scratch_operands = 4 : i64, tpu.core_type = #tpu.core_type<sc_vector_subcore>, window_params = [{transform_indices = #map}, {transform_indices = #map1}, {transform_indices = #map1}]} {
    %mul3A = arith.constant 2 : i32
    %mul3A_0 = arith.muli %arg1, %mul3A : i32
    %add3A = arith.addi %mul3A_0, %arg0 : i32
    %eq3A = arith.constant 31 : i32
    %eq3A_1 = arith.cmpi eq, %add3A, %eq3A : i32
    %mul3A_2 = arith.constant 768 : i32
    %mul3A_3 = arith.muli %add3A, %mul3A_2 : i32
    %jit3A = arith.constant 23808 : i32
    %select_n3A = arith.select %eq3A_1, %jit3A, %mul3A_3 : i32
    %multiple_of3A = tpu.assume_multiple %select_n3A, 8 : i32
    %run_scoped3A = arith.constant 0 : i32
    "tpu.region"() ({
      %run_scoped3A_293 = tpu.sem_alloc : memref<!tpu.dma_semaphore, #tpu.memory_space<semaphore_mem>>
      %dma_start3A = arith.constant 2032 : i32
      %dma_start3A_294 = tpu.memref_slice %arg2[%run_scoped3A, %dma_start3A] : memref<1x2048xi32, #tpu.memory_space<hbm>> -> memref<1x16xi32, #tpu.memory_space<hbm>>
      %dma_start3A_295 = tpu.memref_squeeze %dma_start3A_294 : memref<1x16xi32, #tpu.memory_space<hbm>> -> memref<16xi32, #tpu.memory_space<hbm>>
      %dma_start3A_296 = arith.constant 2032 : i32
      %dma_start3A_297 = tpu.memref_slice %arg2[%run_scoped3A, %dma_start3A_296] : memref<1x2048xi32, #tpu.memory_space<hbm>> -> memref<1x16xi32, #tpu.memory_space<hbm>>
      %dma_start3A_298 = tpu.memref_squeeze %dma_start3A_297 : memref<1x16xi32, #tpu.memory_space<hbm>> -> memref<16xi32, #tpu.memory_space<hbm>>
      tpu.enqueue_dma source(%dma_start3A_298 : memref<16xi32, #tpu.memory_space<hbm>>) target(%arg5 : memref<16xi32, #tpu.memory_space<vmem>>) target_semaphore(%run_scoped3A_293 : memref<!tpu.dma_semaphore, #tpu.memory_space<semaphore_mem>>)
      %dma_wait3A = arith.constant 2032 : i32
      %dma_wait3A_299 = tpu.memref_slice %arg2[%run_scoped3A, %dma_wait3A] : memref<1x2048xi32, #tpu.memory_space<hbm>> -> memref<1x16xi32, #tpu.memory_space<hbm>>
      %dma_wait3A_300 = tpu.memref_squeeze %dma_wait3A_299 : memref<1x16xi32, #tpu.memory_space<hbm>> -> memref<16xi32, #tpu.memory_space<hbm>>
      %dma_wait3A_301 = arith.constant 2032 : i32
      %dma_wait3A_302 = tpu.memref_slice %arg2[%run_scoped3A, %dma_wait3A_301] : memref<1x2048xi32, #tpu.memory_space<hbm>> -> memref<1x16xi32, #tpu.memory_space<hbm>>
      %dma_wait3A_303 = tpu.memref_squeeze %dma_wait3A_302 : memref<1x16xi32, #tpu.memory_space<hbm>> -> memref<16xi32, #tpu.memory_space<hbm>>
      tpu.wait_dma2 semaphore(%run_scoped3A_293 : memref<!tpu.dma_semaphore, #tpu.memory_space<semaphore_mem>>) src(%dma_wait3A_303 : memref<16xi32, #tpu.memory_space<hbm>>) dst(%arg5 : memref<16xi32, #tpu.memory_space<vmem>>)
      tpu.yield
    }) : () -> ()
    "tpu.region"() ({
      %run_scoped3A_293 = tpu.sem_alloc : memref<!tpu.dma_semaphore, #tpu.memory_space<semaphore_mem>>
      %dma_start3A = tpu.memref_slice %arg3[%multiple_of3A] : memref<24576xf32, #tpu.memory_space<hbm>> -> memref<768xf32, #tpu.memory_space<hbm>>
      %dma_start3A_294 = tpu.memref_slice %arg3[%multiple_of3A] : memref<24576xf32, #tpu.memory_space<hbm>> -> memref<768xf32, #tpu.memory_space<hbm>>
      tpu.enqueue_dma source(%dma_start3A_294 : memref<768xf32, #tpu.memory_space<hbm>>) target(%arg6 : memref<768xf32, #tpu.memory_space<vmem>>) target_semaphore(%run_scoped3A_293 : memref<!tpu.dma_semaphore, #tpu.memory_space<semaphore_mem>>)
      %dma_wait3A = tpu.memref_slice %arg3[%multiple_of3A] : memref<24576xf32, #tpu.memory_space<hbm>> -> memref<768xf32, #tpu.memory_space<hbm>>
      %dma_wait3A_295 = tpu.memref_slice %arg3[%multiple_of3A] : memref<24576xf32, #tpu.memory_space<hbm>> -> memref<768xf32, #tpu.memory_space<hbm>>
      tpu.wait_dma2 semaphore(%run_scoped3A_293 : memref<!tpu.dma_semaphore, #tpu.memory_space<semaphore_mem>>) src(%dma_wait3A_295 : memref<768xf32, #tpu.memory_space<hbm>>) dst(%arg6 : memref<768xf32, #tpu.memory_space<vmem>>)
      tpu.yield
    }) : () -> ()
    %iota3A = tpu.iota {dimensions = array<i32: 0>} : vector<16xi32>
    %get3A = arith.constant 0 : index
    %get3A_4 = tpu.vector_load %arg5[%get3A] {strides = array<i32>} : memref<16xi32, #tpu.memory_space<vmem>>, vector<16xi32>,
    %ge3A = arith.constant 12 : i32
    %ge3A_5 = vector.broadcast %ge3A : i32 to vector<16xi32>
    %ge3A_6 = arith.cmpi sge, %iota3A, %ge3A_5 : vector<16xi32>
    %jit3A_7 = arith.constant 0 : i32
    %broadcast_in_dim3A = vector.broadcast %jit3A_7 : i32 to vector<16xi32>
    %select_n3A_8 = arith.select %ge3A_6, %get3A_4, %broadcast_in_dim3A : vector<16xi1>, vector<16xi32>
    %reduce_sum3A = arith.constant true
    %reduce_sum3A_9 = vector.broadcast %reduce_sum3A : i1 to vector<16xi1>
    %reduce_sum3A_10 = tpu.scan <sum>, %select_n3A_8 masked %reduce_sum3A_9 : vector<16xi32>, vector<16xi1> -> vector<16xi32>
    %reduce_sum3A_11 = vector.extract %reduce_sum3A_10[15] : i32 from vector<16xi32>
    %broadcast_in_dim3A_12 = vector.broadcast %reduce_sum3A_11 : i32 to vector<16xi32>
    %broadcast_in_dim3A_13 = arith.constant 0 : i32
    %broadcast_in_dim3A_14 = vector.broadcast %broadcast_in_dim3A_13 : i32 to vector<16xi32>
    %xor3A = arith.constant 1832780943 : i32
    %xor3A_15 = arith.constant 270669613 : i32
    %xor3A_16 = arith.xori %xor3A, %xor3A_15 : i32
    %xor3A_17 = arith.constant 466688986 : i32
    %xor3A_18 = arith.xori %xor3A_16, %xor3A_17 : i32
    %add3A_19 = arith.constant 1 : i32
    %add3A_20 = arith.addi %xor3A_18, %add3A_19 : i32
    %add3A_21 = arith.constant 1832780943 : i32
    %add3A_22 = arith.constant 2 : i32
    %add3A_23 = arith.addi %add3A_21, %add3A_22 : i32
    %add3A_24 = arith.constant 270669613 : i32
    %add3A_25 = arith.constant 3 : i32
    %add3A_26 = arith.addi %add3A_24, %add3A_25 : i32
    %add3A_27 = arith.constant 4 : i32
    %add3A_28 = arith.addi %xor3A_18, %add3A_27 : i32
    %add3A_29 = arith.constant 1832780943 : i32
    %add3A_30 = arith.constant 5 : i32
    %add3A_31 = arith.addi %add3A_29, %add3A_30 : i32
    %add3A_32 = arith.constant 1832780943 : i32
    %add3A_33 = vector.broadcast %add3A_32 : i32 to vector<16xi32>
    %add3A_34 = arith.addi %broadcast_in_dim3A_14, %add3A_33 : vector<16xi32>
    %add3A_35 = arith.constant 270669613 : i32
    %add3A_36 = vector.broadcast %add3A_35 : i32 to vector<16xi32>
    %add3A_37 = arith.addi %broadcast_in_dim3A_12, %add3A_36 : vector<16xi32>
    %add3A_38 = arith.addi %add3A_34, %add3A_37 : vector<16xi32>
    %shift_left3A = arith.constant 13 : i32
    %shift_left3A_39 = vector.broadcast %shift_left3A : i32 to vector<16xi32>
    %shift_left3A_40 = arith.shli %add3A_37, %shift_left3A_39 : vector<16xi32>
    %shift_right_logical3A = arith.constant 19 : i32
    %shift_right_logical3A_41 = vector.broadcast %shift_right_logical3A : i32 to vector<16xi32>
    %shift_right_logical3A_42 = arith.shrui %add3A_37, %shift_right_logical3A_41 : vector<16xi32>
    %or3A = arith.ori %shift_left3A_40, %shift_right_logical3A_42 : vector<16xi32>
    %xor3A_43 = arith.xori %or3A, %add3A_38 : vector<16xi32>
    %add3A_44 = arith.addi %add3A_38, %xor3A_43 : vector<16xi32>
    %shift_left3A_45 = arith.constant 15 : i32
    %shift_left3A_46 = vector.broadcast %shift_left3A_45 : i32 to vector<16xi32>
    %shift_left3A_47 = arith.shli %xor3A_43, %shift_left3A_46 : vector<16xi32>
    %shift_right_logical3A_48 = arith.constant 17 : i32
    %shift_right_logical3A_49 = vector.broadcast %shift_right_logical3A_48 : i32 to vector<16xi32>
    %shift_right_logical3A_50 = arith.shrui %xor3A_43, %shift_right_logical3A_49 : vector<16xi32>
    %or3A_51 = arith.ori %shift_left3A_47, %shift_right_logical3A_50 : vector<16xi32>
    %xor3A_52 = arith.xori %or3A_51, %add3A_44 : vector<16xi32>
    %add3A_53 = arith.addi %add3A_44, %xor3A_52 : vector<16xi32>
    %shift_left3A_54 = arith.constant 26 : i32
    %shift_left3A_55 = vector.broadcast %shift_left3A_54 : i32 to vector<16xi32>
    %shift_left3A_56 = arith.shli %xor3A_52, %shift_left3A_55 : vector<16xi32>
    %shift_right_logical3A_57 = arith.constant 6 : i32
    %shift_right_logical3A_58 = vector.broadcast %shift_right_logical3A_57 : i32 to vector<16xi32>
    %shift_right_logical3A_59 = arith.shrui %xor3A_52, %shift_right_logical3A_58 : vector<16xi32>
    %or3A_60 = arith.ori %shift_left3A_56, %shift_right_logical3A_59 : vector<16xi32>
    %xor3A_61 = arith.xori %or3A_60, %add3A_53 : vector<16xi32>
    %add3A_62 = arith.addi %add3A_53, %xor3A_61 : vector<16xi32>
    %shift_left3A_63 = arith.constant 6 : i32
    %shift_left3A_64 = vector.broadcast %shift_left3A_63 : i32 to vector<16xi32>
    %shift_left3A_65 = arith.shli %xor3A_61, %shift_left3A_64 : vector<16xi32>
    %shift_right_logical3A_66 = arith.constant 26 : i32
    %shift_right_logical3A_67 = vector.broadcast %shift_right_logical3A_66 : i32 to vector<16xi32>
    %shift_right_logical3A_68 = arith.shrui %xor3A_61, %shift_right_logical3A_67 : vector<16xi32>
    %or3A_69 = arith.ori %shift_left3A_65, %shift_right_logical3A_68 : vector<16xi32>
    %xor3A_70 = arith.xori %or3A_69, %add3A_62 : vector<16xi32>
    %add3A_71 = arith.constant 270669613 : i32
    %add3A_72 = vector.broadcast %add3A_71 : i32 to vector<16xi32>
    %add3A_73 = arith.addi %add3A_62, %add3A_72 : vector<16xi32>
    %add3A_74 = vector.broadcast %add3A_20 : i32 to vector<16xi32>
    %add3A_75 = arith.addi %xor3A_70, %add3A_74 : vector<16xi32>
    %add3A_76 = arith.addi %add3A_73, %add3A_75 : vector<16xi32>
    %shift_left3A_77 = arith.constant 17 : i32
    %shift_left3A_78 = vector.broadcast %shift_left3A_77 : i32 to vector<16xi32>
    %shift_left3A_79 = arith.shli %add3A_75, %shift_left3A_78 : vector<16xi32>
    %shift_right_logical3A_80 = arith.constant 15 : i32
    %shift_right_logical3A_81 = vector.broadcast %shift_right_logical3A_80 : i32 to vector<16xi32>
    %shift_right_logical3A_82 = arith.shrui %add3A_75, %shift_right_logical3A_81 : vector<16xi32>
    %or3A_83 = arith.ori %shift_left3A_79, %shift_right_logical3A_82 : vector<16xi32>
    %xor3A_84 = arith.xori %or3A_83, %add3A_76 : vector<16xi32>
    %add3A_85 = arith.addi %add3A_76, %xor3A_84 : vector<16xi32>
    %shift_left3A_86 = arith.constant 29 : i32
    %shift_left3A_87 = vector.broadcast %shift_left3A_86 : i32 to vector<16xi32>
    %shift_left3A_88 = arith.shli %xor3A_84, %shift_left3A_87 : vector<16xi32>
    %shift_right_logical3A_89 = arith.constant 3 : i32
    %shift_right_logical3A_90 = vector.broadcast %shift_right_logical3A_89 : i32 to vector<16xi32>
    %shift_right_logical3A_91 = arith.shrui %xor3A_84, %shift_right_logical3A_90 : vector<16xi32>
    %or3A_92 = arith.ori %shift_left3A_88, %shift_right_logical3A_91 : vector<16xi32>
    %xor3A_93 = arith.xori %or3A_92, %add3A_85 : vector<16xi32>
    %add3A_94 = arith.addi %add3A_85, %xor3A_93 : vector<16xi32>
    %shift_left3A_95 = arith.constant 16 : i32
    %shift_left3A_96 = vector.broadcast %shift_left3A_95 : i32 to vector<16xi32>
    %shift_left3A_97 = arith.shli %xor3A_93, %shift_left3A_96 : vector<16xi32>
    %shift_right_logical3A_98 = arith.constant 16 : i32
    %shift_right_logical3A_99 = vector.broadcast %shift_right_logical3A_98 : i32 to vector<16xi32>
    %shift_right_logical3A_100 = arith.shrui %xor3A_93, %shift_right_logical3A_99 : vector<16xi32>
    %or3A_101 = arith.ori %shift_left3A_97, %shift_right_logical3A_100 : vector<16xi32>
    %xor3A_102 = arith.xori %or3A_101, %add3A_94 : vector<16xi32>
    %add3A_103 = arith.addi %add3A_94, %xor3A_102 : vector<16xi32>
    %shift_left3A_104 = arith.constant 24 : i32
    %shift_left3A_105 = vector.broadcast %shift_left3A_104 : i32 to vector<16xi32>
    %shift_left3A_106 = arith.shli %xor3A_102, %shift_left3A_105 : vector<16xi32>
    %shift_right_logical3A_107 = arith.constant 8 : i32
    %shift_right_logical3A_108 = vector.broadcast %shift_right_logical3A_107 : i32 to vector<16xi32>
    %shift_right_logical3A_109 = arith.shrui %xor3A_102, %shift_right_logical3A_108 : vector<16xi32>
    %or3A_110 = arith.ori %shift_left3A_106, %shift_right_logical3A_109 : vector<16xi32>
    %xor3A_111 = arith.xori %or3A_110, %add3A_103 : vector<16xi32>
    %add3A_112 = vector.broadcast %xor3A_18 : i32 to vector<16xi32>
    %add3A_113 = arith.addi %add3A_103, %add3A_112 : vector<16xi32>
    %add3A_114 = vector.broadcast %add3A_23 : i32 to vector<16xi32>
    %add3A_115 = arith.addi %xor3A_111, %add3A_114 : vector<16xi32>
    %add3A_116 = arith.addi %add3A_113, %add3A_115 : vector<16xi32>
    %shift_left3A_117 = arith.constant 13 : i32
    %shift_left3A_118 = vector.broadcast %shift_left3A_117 : i32 to vector<16xi32>
    %shift_left3A_119 = arith.shli %add3A_115, %shift_left3A_118 : vector<16xi32>
    %shift_right_logical3A_120 = arith.constant 19 : i32
    %shift_right_logical3A_121 = vector.broadcast %shift_right_logical3A_120 : i32 to vector<16xi32>
    %shift_right_logical3A_122 = arith.shrui %add3A_115, %shift_right_logical3A_121 : vector<16xi32>
    %or3A_123 = arith.ori %shift_left3A_119, %shift_right_logical3A_122 : vector<16xi32>
    %xor3A_124 = arith.xori %or3A_123, %add3A_116 : vector<16xi32>
    %add3A_125 = arith.addi %add3A_116, %xor3A_124 : vector<16xi32>
    %shift_left3A_126 = arith.constant 15 : i32
    %shift_left3A_127 = vector.broadcast %shift_left3A_126 : i32 to vector<16xi32>
    %shift_left3A_128 = arith.shli %xor3A_124, %shift_left3A_127 : vector<16xi32>
    %shift_right_logical3A_129 = arith.constant 17 : i32
    %shift_right_logical3A_130 = vector.broadcast %shift_right_logical3A_129 : i32 to vector<16xi32>
    %shift_right_logical3A_131 = arith.shrui %xor3A_124, %shift_right_logical3A_130 : vector<16xi32>
    %or3A_132 = arith.ori %shift_left3A_128, %shift_right_logical3A_131 : vector<16xi32>
    %xor3A_133 = arith.xori %or3A_132, %add3A_125 : vector<16xi32>
    %add3A_134 = arith.addi %add3A_125, %xor3A_133 : vector<16xi32>
    %shift_left3A_135 = arith.constant 26 : i32
    %shift_left3A_136 = vector.broadcast %shift_left3A_135 : i32 to vector<16xi32>
    %shift_left3A_137 = arith.shli %xor3A_133, %shift_left3A_136 : vector<16xi32>
    %shift_right_logical3A_138 = arith.constant 6 : i32
    %shift_right_logical3A_139 = vector.broadcast %shift_right_logical3A_138 : i32 to vector<16xi32>
    %shift_right_logical3A_140 = arith.shrui %xor3A_133, %shift_right_logical3A_139 : vector<16xi32>
    %or3A_141 = arith.ori %shift_left3A_137, %shift_right_logical3A_140 : vector<16xi32>
    %xor3A_142 = arith.xori %or3A_141, %add3A_134 : vector<16xi32>
    %add3A_143 = arith.addi %add3A_134, %xor3A_142 : vector<16xi32>
    %shift_left3A_144 = arith.constant 6 : i32
    %shift_left3A_145 = vector.broadcast %shift_left3A_144 : i32 to vector<16xi32>
    %shift_left3A_146 = arith.shli %xor3A_142, %shift_left3A_145 : vector<16xi32>
    %shift_right_logical3A_147 = arith.constant 26 : i32
    %shift_right_logical3A_148 = vector.broadcast %shift_right_logical3A_147 : i32 to vector<16xi32>
    %shift_right_logical3A_149 = arith.shrui %xor3A_142, %shift_right_logical3A_148 : vector<16xi32>
    %or3A_150 = arith.ori %shift_left3A_146, %shift_right_logical3A_149 : vector<16xi32>
    %xor3A_151 = arith.xori %or3A_150, %add3A_143 : vector<16xi32>
    %add3A_152 = arith.constant 1832780943 : i32
    %add3A_153 = vector.broadcast %add3A_152 : i32 to vector<16xi32>
    %add3A_154 = arith.addi %add3A_143, %add3A_153 : vector<16xi32>
    %add3A_155 = vector.broadcast %add3A_26 : i32 to vector<16xi32>
    %add3A_156 = arith.addi %xor3A_151, %add3A_155 : vector<16xi32>
    %add3A_157 = arith.addi %add3A_154, %add3A_156 : vector<16xi32>
    %shift_left3A_158 = arith.constant 17 : i32
    %shift_left3A_159 = vector.broadcast %shift_left3A_158 : i32 to vector<16xi32>
    %shift_left3A_160 = arith.shli %add3A_156, %shift_left3A_159 : vector<16xi32>
    %shift_right_logical3A_161 = arith.constant 15 : i32
    %shift_right_logical3A_162 = vector.broadcast %shift_right_logical3A_161 : i32 to vector<16xi32>
    %shift_right_logical3A_163 = arith.shrui %add3A_156, %shift_right_logical3A_162 : vector<16xi32>
    %or3A_164 = arith.ori %shift_left3A_160, %shift_right_logical3A_163 : vector<16xi32>
    %xor3A_165 = arith.xori %or3A_164, %add3A_157 : vector<16xi32>
    %add3A_166 = arith.addi %add3A_157, %xor3A_165 : vector<16xi32>
    %shift_left3A_167 = arith.constant 29 : i32
    %shift_left3A_168 = vector.broadcast %shift_left3A_167 : i32 to vector<16xi32>
    %shift_left3A_169 = arith.shli %xor3A_165, %shift_left3A_168 : vector<16xi32>
    %shift_right_logical3A_170 = arith.constant 3 : i32
    %shift_right_logical3A_171 = vector.broadcast %shift_right_logical3A_170 : i32 to vector<16xi32>
    %shift_right_logical3A_172 = arith.shrui %xor3A_165, %shift_right_logical3A_171 : vector<16xi32>
    %or3A_173 = arith.ori %shift_left3A_169, %shift_right_logical3A_172 : vector<16xi32>
    %xor3A_174 = arith.xori %or3A_173, %add3A_166 : vector<16xi32>
    %add3A_175 = arith.addi %add3A_166, %xor3A_174 : vector<16xi32>
    %shift_left3A_176 = arith.constant 16 : i32
    %shift_left3A_177 = vector.broadcast %shift_left3A_176 : i32 to vector<16xi32>
    %shift_left3A_178 = arith.shli %xor3A_174, %shift_left3A_177 : vector<16xi32>
    %shift_right_logical3A_179 = arith.constant 16 : i32
    %shift_right_logical3A_180 = vector.broadcast %shift_right_logical3A_179 : i32 to vector<16xi32>
    %shift_right_logical3A_181 = arith.shrui %xor3A_174, %shift_right_logical3A_180 : vector<16xi32>
    %or3A_182 = arith.ori %shift_left3A_178, %shift_right_logical3A_181 : vector<16xi32>
    %xor3A_183 = arith.xori %or3A_182, %add3A_175 : vector<16xi32>
    %add3A_184 = arith.addi %add3A_175, %xor3A_183 : vector<16xi32>
    %shift_left3A_185 = arith.constant 24 : i32
    %shift_left3A_186 = vector.broadcast %shift_left3A_185 : i32 to vector<16xi32>
    %shift_left3A_187 = arith.shli %xor3A_183, %shift_left3A_186 : vector<16xi32>
    %shift_right_logical3A_188 = arith.constant 8 : i32
    %shift_right_logical3A_189 = vector.broadcast %shift_right_logical3A_188 : i32 to vector<16xi32>
    %shift_right_logical3A_190 = arith.shrui %xor3A_183, %shift_right_logical3A_189 : vector<16xi32>
    %or3A_191 = arith.ori %shift_left3A_187, %shift_right_logical3A_190 : vector<16xi32>
    %xor3A_192 = arith.xori %or3A_191, %add3A_184 : vector<16xi32>
    %add3A_193 = arith.constant 270669613 : i32
    %add3A_194 = vector.broadcast %add3A_193 : i32 to vector<16xi32>
    %add3A_195 = arith.addi %add3A_184, %add3A_194 : vector<16xi32>
    %add3A_196 = vector.broadcast %add3A_28 : i32 to vector<16xi32>
    %add3A_197 = arith.addi %xor3A_192, %add3A_196 : vector<16xi32>
    %add3A_198 = arith.addi %add3A_195, %add3A_197 : vector<16xi32>
    %shift_left3A_199 = arith.constant 13 : i32
    %shift_left3A_200 = vector.broadcast %shift_left3A_199 : i32 to vector<16xi32>
    %shift_left3A_201 = arith.shli %add3A_197, %shift_left3A_200 : vector<16xi32>
    %shift_right_logical3A_202 = arith.constant 19 : i32
    %shift_right_logical3A_203 = vector.broadcast %shift_right_logical3A_202 : i32 to vector<16xi32>
    %shift_right_logical3A_204 = arith.shrui %add3A_197, %shift_right_logical3A_203 : vector<16xi32>
    %or3A_205 = arith.ori %shift_left3A_201, %shift_right_logical3A_204 : vector<16xi32>
    %xor3A_206 = arith.xori %or3A_205, %add3A_198 : vector<16xi32>
    %add3A_207 = arith.addi %add3A_198, %xor3A_206 : vector<16xi32>
    %shift_left3A_208 = arith.constant 15 : i32
    %shift_left3A_209 = vector.broadcast %shift_left3A_208 : i32 to vector<16xi32>
    %shift_left3A_210 = arith.shli %xor3A_206, %shift_left3A_209 : vector<16xi32>
    %shift_right_logical3A_211 = arith.constant 17 : i32
    %shift_right_logical3A_212 = vector.broadcast %shift_right_logical3A_211 : i32 to vector<16xi32>
    %shift_right_logical3A_213 = arith.shrui %xor3A_206, %shift_right_logical3A_212 : vector<16xi32>
    %or3A_214 = arith.ori %shift_left3A_210, %shift_right_logical3A_213 : vector<16xi32>
    %xor3A_215 = arith.xori %or3A_214, %add3A_207 : vector<16xi32>
    %add3A_216 = arith.addi %add3A_207, %xor3A_215 : vector<16xi32>
    %shift_left3A_217 = arith.constant 26 : i32
    %shift_left3A_218 = vector.broadcast %shift_left3A_217 : i32 to vector<16xi32>
    %shift_left3A_219 = arith.shli %xor3A_215, %shift_left3A_218 : vector<16xi32>
    %shift_right_logical3A_220 = arith.constant 6 : i32
    %shift_right_logical3A_221 = vector.broadcast %shift_right_logical3A_220 : i32 to vector<16xi32>
    %shift_right_logical3A_222 = arith.shrui %xor3A_215, %shift_right_logical3A_221 : vector<16xi32>
    %or3A_223 = arith.ori %shift_left3A_219, %shift_right_logical3A_222 : vector<16xi32>
    %xor3A_224 = arith.xori %or3A_223, %add3A_216 : vector<16xi32>
    %add3A_225 = arith.addi %add3A_216, %xor3A_224 : vector<16xi32>
    %shift_left3A_226 = arith.constant 6 : i32
    %shift_left3A_227 = vector.broadcast %shift_left3A_226 : i32 to vector<16xi32>
    %shift_left3A_228 = arith.shli %xor3A_224, %shift_left3A_227 : vector<16xi32>
    %shift_right_logical3A_229 = arith.constant 26 : i32
    %shift_right_logical3A_230 = vector.broadcast %shift_right_logical3A_229 : i32 to vector<16xi32>
    %shift_right_logical3A_231 = arith.shrui %xor3A_224, %shift_right_logical3A_230 : vector<16xi32>
    %or3A_232 = arith.ori %shift_left3A_228, %shift_right_logical3A_231 : vector<16xi32>
    %xor3A_233 = arith.xori %or3A_232, %add3A_225 : vector<16xi32>
    %add3A_234 = vector.broadcast %xor3A_18 : i32 to vector<16xi32>
    %add3A_235 = arith.addi %add3A_225, %add3A_234 : vector<16xi32>
    %add3A_236 = vector.broadcast %add3A_31 : i32 to vector<16xi32>
    %add3A_237 = arith.addi %xor3A_233, %add3A_236 : vector<16xi32>
    %xor3A_238 = arith.xori %add3A_235, %add3A_237 : vector<16xi32>
    %xor3A_239 = arith.constant 466688986 : i32
    %xor3A_240 = vector.broadcast %xor3A_239 : i32 to vector<16xi32>
    %xor3A_241 = arith.xori %xor3A_238, %xor3A_240 : vector<16xi32>
    %add3A_242 = arith.constant 1 : i32
    %add3A_243 = vector.broadcast %add3A_242 : i32 to vector<16xi32>
    %add3A_244 = arith.addi %xor3A_241, %add3A_243 : vector<16xi32>
    %add3A_245 = arith.constant 2 : i32
    %add3A_246 = vector.broadcast %add3A_245 : i32 to vector<16xi32>
    %add3A_247 = arith.addi %add3A_235, %add3A_246 : vector<16xi32>
    %add3A_248 = arith.constant 3 : i32
    %add3A_249 = vector.broadcast %add3A_248 : i32 to vector<16xi32>
    %add3A_250 = arith.addi %add3A_237, %add3A_249 : vector<16xi32>
    %add3A_251 = arith.constant 4 : i32
    %add3A_252 = vector.broadcast %add3A_251 : i32 to vector<16xi32>
    %add3A_253 = arith.addi %xor3A_241, %add3A_252 : vector<16xi32>
    %add3A_254 = arith.constant 5 : i32
    %add3A_255 = vector.broadcast %add3A_254 : i32 to vector<16xi32>
    %add3A_256 = arith.addi %add3A_235, %add3A_255 : vector<16xi32>
    %broadcast_in_dim3A_257 = arith.constant 3.000000e+38 : f32
    %broadcast_in_dim3A_258 = vector.broadcast %broadcast_in_dim3A_257 : f32 to vector<16xf32>
    %broadcast_in_dim3A_259 = arith.constant 0 : i32
    %broadcast_in_dim3A_260 = vector.broadcast %broadcast_in_dim3A_259 : i32 to vector<16xi32>
    %scan3A = arith.constant 0 : i32
    %scan3A_261 = arith.constant 24 : i32
    %scan3A_262 = arith.addi %scan3A, %scan3A_261 : i32
    %scan3A_263 = arith.constant 1 : i32
    %scan3A_264:2 = scf.for %scan3A_293 = %scan3A to %scan3A_262 step %scan3A_263 iter_args(%scan3A_294 = %broadcast_in_dim3A_258, %scan3A_295 = %broadcast_in_dim3A_260) -> (vector<16xf32>, vector<16xi32>)  : i32 {
      %mul3A_296 = arith.constant 2 : i32
      %mul3A_297 = arith.muli %scan3A_293, %mul3A_296 : i32
      %add3A_298 = arith.constant 0 : i32
      %add3A_299 = arith.addi %mul3A_297, %add3A_298 : i32
      %mul3A_300 = arith.constant 16 : i32
      %mul3A_301 = arith.muli %add3A_299, %mul3A_300 : i32
      %add3A_302 = arith.addi %multiple_of3A, %mul3A_301 : i32
      %add3A_303 = vector.broadcast %add3A_302 : i32 to vector<16xi32>
      %add3A_304 = arith.addi %add3A_303, %iota3A : vector<16xi32>
      %add3A_305 = arith.addi %broadcast_in_dim3A_14, %add3A_235 : vector<16xi32>
      %add3A_306 = arith.addi %add3A_304, %add3A_237 : vector<16xi32>
      %add3A_307 = arith.addi %add3A_305, %add3A_306 : vector<16xi32>
      %shift_left3A_308 = arith.constant 13 : i32
      %shift_left3A_309 = vector.broadcast %shift_left3A_308 : i32 to vector<16xi32>
      %shift_left3A_310 = arith.shli %add3A_306, %shift_left3A_309 : vector<16xi32>
      %shift_right_logical3A_311 = arith.constant 19 : i32
      %shift_right_logical3A_312 = vector.broadcast %shift_right_logical3A_311 : i32 to vector<16xi32>
      %shift_right_logical3A_313 = arith.shrui %add3A_306, %shift_right_logical3A_312 : vector<16xi32>
      %or3A_314 = arith.ori %shift_left3A_310, %shift_right_logical3A_313 : vector<16xi32>
      %xor3A_315 = arith.xori %or3A_314, %add3A_307 : vector<16xi32>
      %add3A_316 = arith.addi %add3A_307, %xor3A_315 : vector<16xi32>
      %shift_left3A_317 = arith.constant 15 : i32
      %shift_left3A_318 = vector.broadcast %shift_left3A_317 : i32 to vector<16xi32>
      %shift_left3A_319 = arith.shli %xor3A_315, %shift_left3A_318 : vector<16xi32>
      %shift_right_logical3A_320 = arith.constant 17 : i32
      %shift_right_logical3A_321 = vector.broadcast %shift_right_logical3A_320 : i32 to vector<16xi32>
      %shift_right_logical3A_322 = arith.shrui %xor3A_315, %shift_right_logical3A_321 : vector<16xi32>
      %or3A_323 = arith.ori %shift_left3A_319, %shift_right_logical3A_322 : vector<16xi32>
      %xor3A_324 = arith.xori %or3A_323, %add3A_316 : vector<16xi32>
      %add3A_325 = arith.addi %add3A_316, %xor3A_324 : vector<16xi32>
      %shift_left3A_326 = arith.constant 26 : i32
      %shift_left3A_327 = vector.broadcast %shift_left3A_326 : i32 to vector<16xi32>
      %shift_left3A_328 = arith.shli %xor3A_324, %shift_left3A_327 : vector<16xi32>
      %shift_right_logical3A_329 = arith.constant 6 : i32
      %shift_right_logical3A_330 = vector.broadcast %shift_right_logical3A_329 : i32 to vector<16xi32>
      %shift_right_logical3A_331 = arith.shrui %xor3A_324, %shift_right_logical3A_330 : vector<16xi32>
      %or3A_332 = arith.ori %shift_left3A_328, %shift_right_logical3A_331 : vector<16xi32>
      %xor3A_333 = arith.xori %or3A_332, %add3A_325 : vector<16xi32>
      %add3A_334 = arith.addi %add3A_325, %xor3A_333 : vector<16xi32>
      %shift_left3A_335 = arith.constant 6 : i32
      %shift_left3A_336 = vector.broadcast %shift_left3A_335 : i32 to vector<16xi32>
      %shift_left3A_337 = arith.shli %xor3A_333, %shift_left3A_336 : vector<16xi32>
      %shift_right_logical3A_338 = arith.constant 26 : i32
      %shift_right_logical3A_339 = vector.broadcast %shift_right_logical3A_338 : i32 to vector<16xi32>
      %shift_right_logical3A_340 = arith.shrui %xor3A_333, %shift_right_logical3A_339 : vector<16xi32>
      %or3A_341 = arith.ori %shift_left3A_337, %shift_right_logical3A_340 : vector<16xi32>
      %xor3A_342 = arith.xori %or3A_341, %add3A_334 : vector<16xi32>
      %add3A_343 = arith.addi %add3A_334, %add3A_237 : vector<16xi32>
      %add3A_344 = arith.addi %xor3A_342, %add3A_244 : vector<16xi32>
      %add3A_345 = arith.addi %add3A_343, %add3A_344 : vector<16xi32>
      %shift_left3A_346 = arith.constant 17 : i32
      %shift_left3A_347 = vector.broadcast %shift_left3A_346 : i32 to vector<16xi32>
      %shift_left3A_348 = arith.shli %add3A_344, %shift_left3A_347 : vector<16xi32>
      %shift_right_logical3A_349 = arith.constant 15 : i32
      %shift_right_logical3A_350 = vector.broadcast %shift_right_logical3A_349 : i32 to vector<16xi32>
      %shift_right_logical3A_351 = arith.shrui %add3A_344, %shift_right_logical3A_350 : vector<16xi32>
      %or3A_352 = arith.ori %shift_left3A_348, %shift_right_logical3A_351 : vector<16xi32>
      %xor3A_353 = arith.xori %or3A_352, %add3A_345 : vector<16xi32>
      %add3A_354 = arith.addi %add3A_345, %xor3A_353 : vector<16xi32>
      %shift_left3A_355 = arith.constant 29 : i32
      %shift_left3A_356 = vector.broadcast %shift_left3A_355 : i32 to vector<16xi32>
      %shift_left3A_357 = arith.shli %xor3A_353, %shift_left3A_356 : vector<16xi32>
      %shift_right_logical3A_358 = arith.constant 3 : i32
      %shift_right_logical3A_359 = vector.broadcast %shift_right_logical3A_358 : i32 to vector<16xi32>
      %shift_right_logical3A_360 = arith.shrui %xor3A_353, %shift_right_logical3A_359 : vector<16xi32>
      %or3A_361 = arith.ori %shift_left3A_357, %shift_right_logical3A_360 : vector<16xi32>
      %xor3A_362 = arith.xori %or3A_361, %add3A_354 : vector<16xi32>
      %add3A_363 = arith.addi %add3A_354, %xor3A_362 : vector<16xi32>
      %shift_left3A_364 = arith.constant 16 : i32
      %shift_left3A_365 = vector.broadcast %shift_left3A_364 : i32 to vector<16xi32>
      %shift_left3A_366 = arith.shli %xor3A_362, %shift_left3A_365 : vector<16xi32>
      %shift_right_logical3A_367 = arith.constant 16 : i32
      %shift_right_logical3A_368 = vector.broadcast %shift_right_logical3A_367 : i32 to vector<16xi32>
      %shift_right_logical3A_369 = arith.shrui %xor3A_362, %shift_right_logical3A_368 : vector<16xi32>
      %or3A_370 = arith.ori %shift_left3A_366, %shift_right_logical3A_369 : vector<16xi32>
      %xor3A_371 = arith.xori %or3A_370, %add3A_363 : vector<16xi32>
      %add3A_372 = arith.addi %add3A_363, %xor3A_371 : vector<16xi32>
      %shift_left3A_373 = arith.constant 24 : i32
      %shift_left3A_374 = vector.broadcast %shift_left3A_373 : i32 to vector<16xi32>
      %shift_left3A_375 = arith.shli %xor3A_371, %shift_left3A_374 : vector<16xi32>
      %shift_right_logical3A_376 = arith.constant 8 : i32
      %shift_right_logical3A_377 = vector.broadcast %shift_right_logical3A_376 : i32 to vector<16xi32>
      %shift_right_logical3A_378 = arith.shrui %xor3A_371, %shift_right_logical3A_377 : vector<16xi32>
      %or3A_379 = arith.ori %shift_left3A_375, %shift_right_logical3A_378 : vector<16xi32>
      %xor3A_380 = arith.xori %or3A_379, %add3A_372 : vector<16xi32>
      %add3A_381 = arith.addi %add3A_372, %xor3A_241 : vector<16xi32>
      %add3A_382 = arith.addi %xor3A_380, %add3A_247 : vector<16xi32>
      %add3A_383 = arith.addi %add3A_381, %add3A_382 : vector<16xi32>
      %shift_left3A_384 = arith.constant 13 : i32
      %shift_left3A_385 = vector.broadcast %shift_left3A_384 : i32 to vector<16xi32>
      %shift_left3A_386 = arith.shli %add3A_382, %shift_left3A_385 : vector<16xi32>
      %shift_right_logical3A_387 = arith.constant 19 : i32
      %shift_right_logical3A_388 = vector.broadcast %shift_right_logical3A_387 : i32 to vector<16xi32>
      %shift_right_logical3A_389 = arith.shrui %add3A_382, %shift_right_logical3A_388 : vector<16xi32>
      %or3A_390 = arith.ori %shift_left3A_386, %shift_right_logical3A_389 : vector<16xi32>
      %xor3A_391 = arith.xori %or3A_390, %add3A_383 : vector<16xi32>
      %add3A_392 = arith.addi %add3A_383, %xor3A_391 : vector<16xi32>
      %shift_left3A_393 = arith.constant 15 : i32
      %shift_left3A_394 = vector.broadcast %shift_left3A_393 : i32 to vector<16xi32>
      %shift_left3A_395 = arith.shli %xor3A_391, %shift_left3A_394 : vector<16xi32>
      %shift_right_logical3A_396 = arith.constant 17 : i32
      %shift_right_logical3A_397 = vector.broadcast %shift_right_logical3A_396 : i32 to vector<16xi32>
      %shift_right_logical3A_398 = arith.shrui %xor3A_391, %shift_right_logical3A_397 : vector<16xi32>
      %or3A_399 = arith.ori %shift_left3A_395, %shift_right_logical3A_398 : vector<16xi32>
      %xor3A_400 = arith.xori %or3A_399, %add3A_392 : vector<16xi32>
      %add3A_401 = arith.addi %add3A_392, %xor3A_400 : vector<16xi32>
      %shift_left3A_402 = arith.constant 26 : i32
      %shift_left3A_403 = vector.broadcast %shift_left3A_402 : i32 to vector<16xi32>
      %shift_left3A_404 = arith.shli %xor3A_400, %shift_left3A_403 : vector<16xi32>
      %shift_right_logical3A_405 = arith.constant 6 : i32
      %shift_right_logical3A_406 = vector.broadcast %shift_right_logical3A_405 : i32 to vector<16xi32>
      %shift_right_logical3A_407 = arith.shrui %xor3A_400, %shift_right_logical3A_406 : vector<16xi32>
      %or3A_408 = arith.ori %shift_left3A_404, %shift_right_logical3A_407 : vector<16xi32>
      %xor3A_409 = arith.xori %or3A_408, %add3A_401 : vector<16xi32>
      %add3A_410 = arith.addi %add3A_401, %xor3A_409 : vector<16xi32>
      %shift_left3A_411 = arith.constant 6 : i32
      %shift_left3A_412 = vector.broadcast %shift_left3A_411 : i32 to vector<16xi32>
      %shift_left3A_413 = arith.shli %xor3A_409, %shift_left3A_412 : vector<16xi32>
      %shift_right_logical3A_414 = arith.constant 26 : i32
      %shift_right_logical3A_415 = vector.broadcast %shift_right_logical3A_414 : i32 to vector<16xi32>
      %shift_right_logical3A_416 = arith.shrui %xor3A_409, %shift_right_logical3A_415 : vector<16xi32>
      %or3A_417 = arith.ori %shift_left3A_413, %shift_right_logical3A_416 : vector<16xi32>
      %xor3A_418 = arith.xori %or3A_417, %add3A_410 : vector<16xi32>
      %add3A_419 = arith.addi %add3A_410, %add3A_235 : vector<16xi32>
      %add3A_420 = arith.addi %xor3A_418, %add3A_250 : vector<16xi32>
      %add3A_421 = arith.addi %add3A_419, %add3A_420 : vector<16xi32>
      %shift_left3A_422 = arith.constant 17 : i32
      %shift_left3A_423 = vector.broadcast %shift_left3A_422 : i32 to vector<16xi32>
      %shift_left3A_424 = arith.shli %add3A_420, %shift_left3A_423 : vector<16xi32>
      %shift_right_logical3A_425 = arith.constant 15 : i32
      %shift_right_logical3A_426 = vector.broadcast %shift_right_logical3A_425 : i32 to vector<16xi32>
      %shift_right_logical3A_427 = arith.shrui %add3A_420, %shift_right_logical3A_426 : vector<16xi32>
      %or3A_428 = arith.ori %shift_left3A_424, %shift_right_logical3A_427 : vector<16xi32>
      %xor3A_429 = arith.xori %or3A_428, %add3A_421 : vector<16xi32>
      %add3A_430 = arith.addi %add3A_421, %xor3A_429 : vector<16xi32>
      %shift_left3A_431 = arith.constant 29 : i32
      %shift_left3A_432 = vector.broadcast %shift_left3A_431 : i32 to vector<16xi32>
      %shift_left3A_433 = arith.shli %xor3A_429, %shift_left3A_432 : vector<16xi32>
      %shift_right_logical3A_434 = arith.constant 3 : i32
      %shift_right_logical3A_435 = vector.broadcast %shift_right_logical3A_434 : i32 to vector<16xi32>
      %shift_right_logical3A_436 = arith.shrui %xor3A_429, %shift_right_logical3A_435 : vector<16xi32>
      %or3A_437 = arith.ori %shift_left3A_433, %shift_right_logical3A_436 : vector<16xi32>
      %xor3A_438 = arith.xori %or3A_437, %add3A_430 : vector<16xi32>
      %add3A_439 = arith.addi %add3A_430, %xor3A_438 : vector<16xi32>
      %shift_left3A_440 = arith.constant 16 : i32
      %shift_left3A_441 = vector.broadcast %shift_left3A_440 : i32 to vector<16xi32>
      %shift_left3A_442 = arith.shli %xor3A_438, %shift_left3A_441 : vector<16xi32>
      %shift_right_logical3A_443 = arith.constant 16 : i32
      %shift_right_logical3A_444 = vector.broadcast %shift_right_logical3A_443 : i32 to vector<16xi32>
      %shift_right_logical3A_445 = arith.shrui %xor3A_438, %shift_right_logical3A_444 : vector<16xi32>
      %or3A_446 = arith.ori %shift_left3A_442, %shift_right_logical3A_445 : vector<16xi32>
      %xor3A_447 = arith.xori %or3A_446, %add3A_439 : vector<16xi32>
      %add3A_448 = arith.addi %add3A_439, %xor3A_447 : vector<16xi32>
      %shift_left3A_449 = arith.constant 24 : i32
      %shift_left3A_450 = vector.broadcast %shift_left3A_449 : i32 to vector<16xi32>
      %shift_left3A_451 = arith.shli %xor3A_447, %shift_left3A_450 : vector<16xi32>
      %shift_right_logical3A_452 = arith.constant 8 : i32
      %shift_right_logical3A_453 = vector.broadcast %shift_right_logical3A_452 : i32 to vector<16xi32>
      %shift_right_logical3A_454 = arith.shrui %xor3A_447, %shift_right_logical3A_453 : vector<16xi32>
      %or3A_455 = arith.ori %shift_left3A_451, %shift_right_logical3A_454 : vector<16xi32>
      %xor3A_456 = arith.xori %or3A_455, %add3A_448 : vector<16xi32>
      %add3A_457 = arith.addi %add3A_448, %add3A_237 : vector<16xi32>
      %add3A_458 = arith.addi %xor3A_456, %add3A_253 : vector<16xi32>
      %add3A_459 = arith.addi %add3A_457, %add3A_458 : vector<16xi32>
      %shift_left3A_460 = arith.constant 13 : i32
      %shift_left3A_461 = vector.broadcast %shift_left3A_460 : i32 to vector<16xi32>
      %shift_left3A_462 = arith.shli %add3A_458, %shift_left3A_461 : vector<16xi32>
      %shift_right_logical3A_463 = arith.constant 19 : i32
      %shift_right_logical3A_464 = vector.broadcast %shift_right_logical3A_463 : i32 to vector<16xi32>
      %shift_right_logical3A_465 = arith.shrui %add3A_458, %shift_right_logical3A_464 : vector<16xi32>
      %or3A_466 = arith.ori %shift_left3A_462, %shift_right_logical3A_465 : vector<16xi32>
      %xor3A_467 = arith.xori %or3A_466, %add3A_459 : vector<16xi32>
      %add3A_468 = arith.addi %add3A_459, %xor3A_467 : vector<16xi32>
      %shift_left3A_469 = arith.constant 15 : i32
      %shift_left3A_470 = vector.broadcast %shift_left3A_469 : i32 to vector<16xi32>
      %shift_left3A_471 = arith.shli %xor3A_467, %shift_left3A_470 : vector<16xi32>
      %shift_right_logical3A_472 = arith.constant 17 : i32
      %shift_right_logical3A_473 = vector.broadcast %shift_right_logical3A_472 : i32 to vector<16xi32>
      %shift_right_logical3A_474 = arith.shrui %xor3A_467, %shift_right_logical3A_473 : vector<16xi32>
      %or3A_475 = arith.ori %shift_left3A_471, %shift_right_logical3A_474 : vector<16xi32>
      %xor3A_476 = arith.xori %or3A_475, %add3A_468 : vector<16xi32>
      %add3A_477 = arith.addi %add3A_468, %xor3A_476 : vector<16xi32>
      %shift_left3A_478 = arith.constant 26 : i32
      %shift_left3A_479 = vector.broadcast %shift_left3A_478 : i32 to vector<16xi32>
      %shift_left3A_480 = arith.shli %xor3A_476, %shift_left3A_479 : vector<16xi32>
      %shift_right_logical3A_481 = arith.constant 6 : i32
      %shift_right_logical3A_482 = vector.broadcast %shift_right_logical3A_481 : i32 to vector<16xi32>
      %shift_right_logical3A_483 = arith.shrui %xor3A_476, %shift_right_logical3A_482 : vector<16xi32>
      %or3A_484 = arith.ori %shift_left3A_480, %shift_right_logical3A_483 : vector<16xi32>
      %xor3A_485 = arith.xori %or3A_484, %add3A_477 : vector<16xi32>
      %add3A_486 = arith.addi %add3A_477, %xor3A_485 : vector<16xi32>
      %shift_left3A_487 = arith.constant 6 : i32
      %shift_left3A_488 = vector.broadcast %shift_left3A_487 : i32 to vector<16xi32>
      %shift_left3A_489 = arith.shli %xor3A_485, %shift_left3A_488 : vector<16xi32>
      %shift_right_logical3A_490 = arith.constant 26 : i32
      %shift_right_logical3A_491 = vector.broadcast %shift_right_logical3A_490 : i32 to vector<16xi32>
      %shift_right_logical3A_492 = arith.shrui %xor3A_485, %shift_right_logical3A_491 : vector<16xi32>
      %or3A_493 = arith.ori %shift_left3A_489, %shift_right_logical3A_492 : vector<16xi32>
      %xor3A_494 = arith.xori %or3A_493, %add3A_486 : vector<16xi32>
      %add3A_495 = arith.addi %add3A_486, %xor3A_241 : vector<16xi32>
      %add3A_496 = arith.addi %xor3A_494, %add3A_256 : vector<16xi32>
      %xor3A_497 = arith.xori %add3A_495, %add3A_496 : vector<16xi32>
      %shift_right_logical3A_498 = arith.constant 9 : i32
      %shift_right_logical3A_499 = vector.broadcast %shift_right_logical3A_498 : i32 to vector<16xi32>
      %shift_right_logical3A_500 = arith.shrui %xor3A_497, %shift_right_logical3A_499 : vector<16xi32>
      %or3A_501 = arith.constant 1065353216 : i32
      %or3A_502 = vector.broadcast %or3A_501 : i32 to vector<16xi32>
      %or3A_503 = arith.ori %shift_right_logical3A_500, %or3A_502 : vector<16xi32>
      %bitcast_convert_type3A = tpu.bitcast %or3A_503 : vector<16xi32> -> vector<16xf32>
      %sub3A = arith.constant 1.000000e+00 : f32
      %sub3A_504 = vector.broadcast %sub3A : f32 to vector<16xf32>
      %sub3A_505 = arith.subf %bitcast_convert_type3A, %sub3A_504 : vector<16xf32>
      %eq3A_506 = arith.constant 0.000000e+00 : f32
      %eq3A_507 = vector.broadcast %eq3A_506 : f32 to vector<16xf32>
      %eq3A_508 = arith.cmpf oeq, %sub3A_505, %eq3A_507 : vector<16xf32>
      %jit3A_509 = arith.constant 1.000000e+00 : f32
      %broadcast_in_dim3A_510 = vector.broadcast %jit3A_509 : f32 to vector<16xf32>
      %select_n3A_511 = arith.select %eq3A_508, %broadcast_in_dim3A_510, %sub3A_505 : vector<16xi1>, vector<16xf32>
      %bitcast_convert_type3A_512 = tpu.bitcast %select_n3A_511 : vector<16xf32> -> vector<16xi32>
      %shift_right_logical3A_513 = arith.constant 23 : i32
      %shift_right_logical3A_514 = vector.broadcast %shift_right_logical3A_513 : i32 to vector<16xi32>
      %shift_right_logical3A_515 = arith.shrui %bitcast_convert_type3A_512, %shift_right_logical3A_514 : vector<16xi32>
      %sub3A_516 = arith.constant 127 : i32
      %sub3A_517 = vector.broadcast %sub3A_516 : i32 to vector<16xi32>
      %sub3A_518 = arith.subi %shift_right_logical3A_515, %sub3A_517 : vector<16xi32>
      %and3A = arith.constant 8388607 : i32
      %and3A_519 = vector.broadcast %and3A : i32 to vector<16xi32>
      %and3A_520 = arith.andi %bitcast_convert_type3A_512, %and3A_519 : vector<16xi32>
      %or3A_521 = arith.constant 1065353216 : i32
      %or3A_522 = vector.broadcast %or3A_521 : i32 to vector<16xi32>
      %or3A_523 = arith.ori %and3A_520, %or3A_522 : vector<16xi32>
      %bitcast_convert_type3A_524 = tpu.bitcast %or3A_523 : vector<16xi32> -> vector<16xf32>
      %ge3A_525 = arith.constant 1.41421354 : f32
      %ge3A_526 = vector.broadcast %ge3A_525 : f32 to vector<16xf32>
      %ge3A_527 = arith.cmpf oge, %bitcast_convert_type3A_524, %ge3A_526 : vector<16xf32>
      %mul3A_528 = arith.constant 5.000000e-01 : f32
      %mul3A_529 = vector.broadcast %mul3A_528 : f32 to vector<16xf32>
      %mul3A_530 = arith.mulf %bitcast_convert_type3A_524, %mul3A_529 : vector<16xf32>
      %select_n3A_531 = arith.select %ge3A_527, %mul3A_530, %bitcast_convert_type3A_524 : vector<16xi1>, vector<16xf32>
      %jit3A_532 = arith.constant 1 : i32
      %jit3A_533 = arith.constant 0 : i32
      %broadcast_in_dim3A_534 = vector.broadcast %jit3A_532 : i32 to vector<16xi32>
      %broadcast_in_dim3A_535 = vector.broadcast %jit3A_533 : i32 to vector<16xi32>
      %select_n3A_536 = arith.select %ge3A_527, %broadcast_in_dim3A_534, %broadcast_in_dim3A_535 : vector<16xi1>, vector<16xi32>
      %add3A_537 = arith.addi %sub3A_518, %select_n3A_536 : vector<16xi32>
      %sub3A_538 = arith.constant 1.000000e+00 : f32
      %sub3A_539 = vector.broadcast %sub3A_538 : f32 to vector<16xf32>
      %sub3A_540 = arith.subf %select_n3A_531, %sub3A_539 : vector<16xf32>
      %add3A_541 = arith.constant 1.000000e+00 : f32
      %add3A_542 = vector.broadcast %add3A_541 : f32 to vector<16xf32>
      %add3A_543 = arith.addf %select_n3A_531, %add3A_542 : vector<16xf32>
      %div3A = arith.divf %sub3A_540, %add3A_543 : vector<16xf32>
      %mul3A_544 = arith.mulf %div3A, %div3A : vector<16xf32>
      %mul3A_545 = arith.constant 0.222222224 : f32
      %mul3A_546 = vector.broadcast %mul3A_545 : f32 to vector<16xf32>
      %mul3A_547 = arith.mulf %mul3A_546, %mul3A_544 : vector<16xf32>
      %add3A_548 = arith.constant 0.285714298 : f32
      %add3A_549 = vector.broadcast %add3A_548 : f32 to vector<16xf32>
      %add3A_550 = arith.addf %mul3A_547, %add3A_549 : vector<16xf32>
      %mul3A_551 = arith.mulf %add3A_550, %mul3A_544 : vector<16xf32>
      %add3A_552 = arith.constant 4.000000e-01 : f32
      %add3A_553 = vector.broadcast %add3A_552 : f32 to vector<16xf32>
      %add3A_554 = arith.addf %mul3A_551, %add3A_553 : vector<16xf32>
      %mul3A_555 = arith.mulf %add3A_554, %mul3A_544 : vector<16xf32>
      %add3A_556 = arith.constant 0.666666686 : f32
      %add3A_557 = vector.broadcast %add3A_556 : f32 to vector<16xf32>
      %add3A_558 = arith.addf %mul3A_555, %add3A_557 : vector<16xf32>
      %mul3A_559 = arith.mulf %add3A_558, %mul3A_544 : vector<16xf32>
      %add3A_560 = arith.constant 2.000000e+00 : f32
      %add3A_561 = vector.broadcast %add3A_560 : f32 to vector<16xf32>
      %add3A_562 = arith.addf %mul3A_559, %add3A_561 : vector<16xf32>
      %convert_element_type3A_563 = arith.sitofp %add3A_537 : vector<16xi32> to vector<16xf32>
      %mul3A_564 = arith.constant 0.693147182 : f32
      %mul3A_565 = vector.broadcast %mul3A_564 : f32 to vector<16xf32>
      %mul3A_566 = arith.mulf %convert_element_type3A_563, %mul3A_565 : vector<16xf32>
      %mul3A_567 = arith.mulf %div3A, %add3A_562 : vector<16xf32>
      %add3A_568 = arith.addf %mul3A_566, %mul3A_567 : vector<16xf32>
      %sub3A_569 = arith.constant 0.000000e+00 : f32
      %sub3A_570 = vector.broadcast %sub3A_569 : f32 to vector<16xf32>
      %sub3A_571 = arith.subf %sub3A_570, %add3A_568 : vector<16xf32>
      %bitcast_convert_type3A_572 = tpu.bitcast %sub3A_571 : vector<16xf32> -> vector<16xi32>
      %shift_right_logical3A_573 = arith.constant 23 : i32
      %shift_right_logical3A_574 = vector.broadcast %shift_right_logical3A_573 : i32 to vector<16xi32>
      %shift_right_logical3A_575 = arith.shrui %bitcast_convert_type3A_572, %shift_right_logical3A_574 : vector<16xi32>
      %sub3A_576 = arith.constant 127 : i32
      %sub3A_577 = vector.broadcast %sub3A_576 : i32 to vector<16xi32>
      %sub3A_578 = arith.subi %shift_right_logical3A_575, %sub3A_577 : vector<16xi32>
      %and3A_579 = arith.constant 8388607 : i32
      %and3A_580 = vector.broadcast %and3A_579 : i32 to vector<16xi32>
      %and3A_581 = arith.andi %bitcast_convert_type3A_572, %and3A_580 : vector<16xi32>
      %or3A_582 = arith.constant 1065353216 : i32
      %or3A_583 = vector.broadcast %or3A_582 : i32 to vector<16xi32>
      %or3A_584 = arith.ori %and3A_581, %or3A_583 : vector<16xi32>
      %bitcast_convert_type3A_585 = tpu.bitcast %or3A_584 : vector<16xi32> -> vector<16xf32>
      %ge3A_586 = arith.constant 1.41421354 : f32
      %ge3A_587 = vector.broadcast %ge3A_586 : f32 to vector<16xf32>
      %ge3A_588 = arith.cmpf oge, %bitcast_convert_type3A_585, %ge3A_587 : vector<16xf32>
      %mul3A_589 = arith.constant 5.000000e-01 : f32
      %mul3A_590 = vector.broadcast %mul3A_589 : f32 to vector<16xf32>
      %mul3A_591 = arith.mulf %bitcast_convert_type3A_585, %mul3A_590 : vector<16xf32>
      %select_n3A_592 = arith.select %ge3A_588, %mul3A_591, %bitcast_convert_type3A_585 : vector<16xi1>, vector<16xf32>
      %jit3A_593 = arith.constant 1 : i32
      %jit3A_594 = arith.constant 0 : i32
      %broadcast_in_dim3A_595 = vector.broadcast %jit3A_593 : i32 to vector<16xi32>
      %broadcast_in_dim3A_596 = vector.broadcast %jit3A_594 : i32 to vector<16xi32>
      %select_n3A_597 = arith.select %ge3A_588, %broadcast_in_dim3A_595, %broadcast_in_dim3A_596 : vector<16xi1>, vector<16xi32>
      %add3A_598 = arith.addi %sub3A_578, %select_n3A_597 : vector<16xi32>
      %sub3A_599 = arith.constant 1.000000e+00 : f32
      %sub3A_600 = vector.broadcast %sub3A_599 : f32 to vector<16xf32>
      %sub3A_601 = arith.subf %select_n3A_592, %sub3A_600 : vector<16xf32>
      %add3A_602 = arith.constant 1.000000e+00 : f32
      %add3A_603 = vector.broadcast %add3A_602 : f32 to vector<16xf32>
      %add3A_604 = arith.addf %select_n3A_592, %add3A_603 : vector<16xf32>
      %div3A_605 = arith.divf %sub3A_601, %add3A_604 : vector<16xf32>
      %mul3A_606 = arith.mulf %div3A_605, %div3A_605 : vector<16xf32>
      %mul3A_607 = arith.constant 0.222222224 : f32
      %mul3A_608 = vector.broadcast %mul3A_607 : f32 to vector<16xf32>
      %mul3A_609 = arith.mulf %mul3A_608, %mul3A_606 : vector<16xf32>
      %add3A_610 = arith.constant 0.285714298 : f32
      %add3A_611 = vector.broadcast %add3A_610 : f32 to vector<16xf32>
      %add3A_612 = arith.addf %mul3A_609, %add3A_611 : vector<16xf32>
      %mul3A_613 = arith.mulf %add3A_612, %mul3A_606 : vector<16xf32>
      %add3A_614 = arith.constant 4.000000e-01 : f32
      %add3A_615 = vector.broadcast %add3A_614 : f32 to vector<16xf32>
      %add3A_616 = arith.addf %mul3A_613, %add3A_615 : vector<16xf32>
      %mul3A_617 = arith.mulf %add3A_616, %mul3A_606 : vector<16xf32>
      %add3A_618 = arith.constant 0.666666686 : f32
      %add3A_619 = vector.broadcast %add3A_618 : f32 to vector<16xf32>
      %add3A_620 = arith.addf %mul3A_617, %add3A_619 : vector<16xf32>
      %mul3A_621 = arith.mulf %add3A_620, %mul3A_606 : vector<16xf32>
      %add3A_622 = arith.constant 2.000000e+00 : f32
      %add3A_623 = vector.broadcast %add3A_622 : f32 to vector<16xf32>
      %add3A_624 = arith.addf %mul3A_621, %add3A_623 : vector<16xf32>
      %convert_element_type3A_625 = arith.sitofp %add3A_598 : vector<16xi32> to vector<16xf32>
      %mul3A_626 = arith.constant 0.693147182 : f32
      %mul3A_627 = vector.broadcast %mul3A_626 : f32 to vector<16xf32>
      %mul3A_628 = arith.mulf %convert_element_type3A_625, %mul3A_627 : vector<16xf32>
      %mul3A_629 = arith.mulf %div3A_605, %add3A_624 : vector<16xf32>
      %add3A_630 = arith.addf %mul3A_628, %mul3A_629 : vector<16xf32>
      %mul3A_631 = arith.constant 2 : i32
      %mul3A_632 = arith.muli %scan3A_293, %mul3A_631 : i32
      %add3A_633 = arith.constant 0 : i32
      %add3A_634 = arith.addi %mul3A_632, %add3A_633 : i32
      %mul3A_635 = arith.constant 16 : i32
      %mul3A_636 = arith.muli %add3A_634, %mul3A_635 : i32
      %get3A_637 = arith.index_cast %mul3A_636 : i32 to index
      %get3A_638 = tpu.vector_load %arg6[%get3A_637] {strides = array<i32>} : memref<768xf32, #tpu.memory_space<vmem>>, vector<16xf32>,
      %sub3A_639 = arith.subf %add3A_630, %get3A_638 : vector<16xf32>
      %eq3A_640 = arith.constant 0.000000e+00 : f32
      %eq3A_641 = vector.broadcast %eq3A_640 : f32 to vector<16xf32>
      %eq3A_642 = arith.cmpf oeq, %sub3A_505, %eq3A_641 : vector<16xf32>
      %select_n3A_643 = arith.select %eq3A_642, %broadcast_in_dim3A_258, %sub3A_639 : vector<16xi1>, vector<16xf32>
      %lt3A = arith.cmpf olt, %select_n3A_643, %scan3A_294 : vector<16xf32>
      %select_n3A_644 = arith.select %lt3A, %select_n3A_643, %scan3A_294 : vector<16xi1>, vector<16xf32>
      %select_n3A_645 = arith.select %lt3A, %add3A_304, %scan3A_295 : vector<16xi1>, vector<16xi32>
      %mul3A_646 = arith.constant 2 : i32
      %mul3A_647 = arith.muli %scan3A_293, %mul3A_646 : i32
      %add3A_648 = arith.constant 1 : i32
      %add3A_649 = arith.addi %mul3A_647, %add3A_648 : i32
      %mul3A_650 = arith.constant 16 : i32
      %mul3A_651 = arith.muli %add3A_649, %mul3A_650 : i32
      %add3A_652 = arith.addi %multiple_of3A, %mul3A_651 : i32
      %add3A_653 = vector.broadcast %add3A_652 : i32 to vector<16xi32>
      %add3A_654 = arith.addi %add3A_653, %iota3A : vector<16xi32>
      %add3A_655 = arith.addi %broadcast_in_dim3A_14, %add3A_235 : vector<16xi32>
      %add3A_656 = arith.addi %add3A_654, %add3A_237 : vector<16xi32>
      %add3A_657 = arith.addi %add3A_655, %add3A_656 : vector<16xi32>
      %shift_left3A_658 = arith.constant 13 : i32
      %shift_left3A_659 = vector.broadcast %shift_left3A_658 : i32 to vector<16xi32>
      %shift_left3A_660 = arith.shli %add3A_656, %shift_left3A_659 : vector<16xi32>
      %shift_right_logical3A_661 = arith.constant 19 : i32
      %shift_right_logical3A_662 = vector.broadcast %shift_right_logical3A_661 : i32 to vector<16xi32>
      %shift_right_logical3A_663 = arith.shrui %add3A_656, %shift_right_logical3A_662 : vector<16xi32>
      %or3A_664 = arith.ori %shift_left3A_660, %shift_right_logical3A_663 : vector<16xi32>
      %xor3A_665 = arith.xori %or3A_664, %add3A_657 : vector<16xi32>
      %add3A_666 = arith.addi %add3A_657, %xor3A_665 : vector<16xi32>
      %shift_left3A_667 = arith.constant 15 : i32
      %shift_left3A_668 = vector.broadcast %shift_left3A_667 : i32 to vector<16xi32>
      %shift_left3A_669 = arith.shli %xor3A_665, %shift_left3A_668 : vector<16xi32>
      %shift_right_logical3A_670 = arith.constant 17 : i32
      %shift_right_logical3A_671 = vector.broadcast %shift_right_logical3A_670 : i32 to vector<16xi32>
      %shift_right_logical3A_672 = arith.shrui %xor3A_665, %shift_right_logical3A_671 : vector<16xi32>
      %or3A_673 = arith.ori %shift_left3A_669, %shift_right_logical3A_672 : vector<16xi32>
      %xor3A_674 = arith.xori %or3A_673, %add3A_666 : vector<16xi32>
      %add3A_675 = arith.addi %add3A_666, %xor3A_674 : vector<16xi32>
      %shift_left3A_676 = arith.constant 26 : i32
      %shift_left3A_677 = vector.broadcast %shift_left3A_676 : i32 to vector<16xi32>
      %shift_left3A_678 = arith.shli %xor3A_674, %shift_left3A_677 : vector<16xi32>
      %shift_right_logical3A_679 = arith.constant 6 : i32
      %shift_right_logical3A_680 = vector.broadcast %shift_right_logical3A_679 : i32 to vector<16xi32>
      %shift_right_logical3A_681 = arith.shrui %xor3A_674, %shift_right_logical3A_680 : vector<16xi32>
      %or3A_682 = arith.ori %shift_left3A_678, %shift_right_logical3A_681 : vector<16xi32>
      %xor3A_683 = arith.xori %or3A_682, %add3A_675 : vector<16xi32>
      %add3A_684 = arith.addi %add3A_675, %xor3A_683 : vector<16xi32>
      %shift_left3A_685 = arith.constant 6 : i32
      %shift_left3A_686 = vector.broadcast %shift_left3A_685 : i32 to vector<16xi32>
      %shift_left3A_687 = arith.shli %xor3A_683, %shift_left3A_686 : vector<16xi32>
      %shift_right_logical3A_688 = arith.constant 26 : i32
      %shift_right_logical3A_689 = vector.broadcast %shift_right_logical3A_688 : i32 to vector<16xi32>
      %shift_right_logical3A_690 = arith.shrui %xor3A_683, %shift_right_logical3A_689 : vector<16xi32>
      %or3A_691 = arith.ori %shift_left3A_687, %shift_right_logical3A_690 : vector<16xi32>
      %xor3A_692 = arith.xori %or3A_691, %add3A_684 : vector<16xi32>
      %add3A_693 = arith.addi %add3A_684, %add3A_237 : vector<16xi32>
      %add3A_694 = arith.addi %xor3A_692, %add3A_244 : vector<16xi32>
      %add3A_695 = arith.addi %add3A_693, %add3A_694 : vector<16xi32>
      %shift_left3A_696 = arith.constant 17 : i32
      %shift_left3A_697 = vector.broadcast %shift_left3A_696 : i32 to vector<16xi32>
      %shift_left3A_698 = arith.shli %add3A_694, %shift_left3A_697 : vector<16xi32>
      %shift_right_logical3A_699 = arith.constant 15 : i32
      %shift_right_logical3A_700 = vector.broadcast %shift_right_logical3A_699 : i32 to vector<16xi32>
      %shift_right_logical3A_701 = arith.shrui %add3A_694, %shift_right_logical3A_700 : vector<16xi32>
      %or3A_702 = arith.ori %shift_left3A_698, %shift_right_logical3A_701 : vector<16xi32>
      %xor3A_703 = arith.xori %or3A_702, %add3A_695 : vector<16xi32>
      %add3A_704 = arith.addi %add3A_695, %xor3A_703 : vector<16xi32>
      %shift_left3A_705 = arith.constant 29 : i32
      %shift_left3A_706 = vector.broadcast %shift_left3A_705 : i32 to vector<16xi32>
      %shift_left3A_707 = arith.shli %xor3A_703, %shift_left3A_706 : vector<16xi32>
      %shift_right_logical3A_708 = arith.constant 3 : i32
      %shift_right_logical3A_709 = vector.broadcast %shift_right_logical3A_708 : i32 to vector<16xi32>
      %shift_right_logical3A_710 = arith.shrui %xor3A_703, %shift_right_logical3A_709 : vector<16xi32>
      %or3A_711 = arith.ori %shift_left3A_707, %shift_right_logical3A_710 : vector<16xi32>
      %xor3A_712 = arith.xori %or3A_711, %add3A_704 : vector<16xi32>
      %add3A_713 = arith.addi %add3A_704, %xor3A_712 : vector<16xi32>
      %shift_left3A_714 = arith.constant 16 : i32
      %shift_left3A_715 = vector.broadcast %shift_left3A_714 : i32 to vector<16xi32>
      %shift_left3A_716 = arith.shli %xor3A_712, %shift_left3A_715 : vector<16xi32>
      %shift_right_logical3A_717 = arith.constant 16 : i32
      %shift_right_logical3A_718 = vector.broadcast %shift_right_logical3A_717 : i32 to vector<16xi32>
      %shift_right_logical3A_719 = arith.shrui %xor3A_712, %shift_right_logical3A_718 : vector<16xi32>
      %or3A_720 = arith.ori %shift_left3A_716, %shift_right_logical3A_719 : vector<16xi32>
      %xor3A_721 = arith.xori %or3A_720, %add3A_713 : vector<16xi32>
      %add3A_722 = arith.addi %add3A_713, %xor3A_721 : vector<16xi32>
      %shift_left3A_723 = arith.constant 24 : i32
      %shift_left3A_724 = vector.broadcast %shift_left3A_723 : i32 to vector<16xi32>
      %shift_left3A_725 = arith.shli %xor3A_721, %shift_left3A_724 : vector<16xi32>
      %shift_right_logical3A_726 = arith.constant 8 : i32
      %shift_right_logical3A_727 = vector.broadcast %shift_right_logical3A_726 : i32 to vector<16xi32>
      %shift_right_logical3A_728 = arith.shrui %xor3A_721, %shift_right_logical3A_727 : vector<16xi32>
      %or3A_729 = arith.ori %shift_left3A_725, %shift_right_logical3A_728 : vector<16xi32>
      %xor3A_730 = arith.xori %or3A_729, %add3A_722 : vector<16xi32>
      %add3A_731 = arith.addi %add3A_722, %xor3A_241 : vector<16xi32>
      %add3A_732 = arith.addi %xor3A_730, %add3A_247 : vector<16xi32>
      %add3A_733 = arith.addi %add3A_731, %add3A_732 : vector<16xi32>
      %shift_left3A_734 = arith.constant 13 : i32
      %shift_left3A_735 = vector.broadcast %shift_left3A_734 : i32 to vector<16xi32>
      %shift_left3A_736 = arith.shli %add3A_732, %shift_left3A_735 : vector<16xi32>
      %shift_right_logical3A_737 = arith.constant 19 : i32
      %shift_right_logical3A_738 = vector.broadcast %shift_right_logical3A_737 : i32 to vector<16xi32>
      %shift_right_logical3A_739 = arith.shrui %add3A_732, %shift_right_logical3A_738 : vector<16xi32>
      %or3A_740 = arith.ori %shift_left3A_736, %shift_right_logical3A_739 : vector<16xi32>
      %xor3A_741 = arith.xori %or3A_740, %add3A_733 : vector<16xi32>
      %add3A_742 = arith.addi %add3A_733, %xor3A_741 : vector<16xi32>
      %shift_left3A_743 = arith.constant 15 : i32
      %shift_left3A_744 = vector.broadcast %shift_left3A_743 : i32 to vector<16xi32>
      %shift_left3A_745 = arith.shli %xor3A_741, %shift_left3A_744 : vector<16xi32>
      %shift_right_logical3A_746 = arith.constant 17 : i32
      %shift_right_logical3A_747 = vector.broadcast %shift_right_logical3A_746 : i32 to vector<16xi32>
      %shift_right_logical3A_748 = arith.shrui %xor3A_741, %shift_right_logical3A_747 : vector<16xi32>
      %or3A_749 = arith.ori %shift_left3A_745, %shift_right_logical3A_748 : vector<16xi32>
      %xor3A_750 = arith.xori %or3A_749, %add3A_742 : vector<16xi32>
      %add3A_751 = arith.addi %add3A_742, %xor3A_750 : vector<16xi32>
      %shift_left3A_752 = arith.constant 26 : i32
      %shift_left3A_753 = vector.broadcast %shift_left3A_752 : i32 to vector<16xi32>
      %shift_left3A_754 = arith.shli %xor3A_750, %shift_left3A_753 : vector<16xi32>
      %shift_right_logical3A_755 = arith.constant 6 : i32
      %shift_right_logical3A_756 = vector.broadcast %shift_right_logical3A_755 : i32 to vector<16xi32>
      %shift_right_logical3A_757 = arith.shrui %xor3A_750, %shift_right_logical3A_756 : vector<16xi32>
      %or3A_758 = arith.ori %shift_left3A_754, %shift_right_logical3A_757 : vector<16xi32>
      %xor3A_759 = arith.xori %or3A_758, %add3A_751 : vector<16xi32>
      %add3A_760 = arith.addi %add3A_751, %xor3A_759 : vector<16xi32>
      %shift_left3A_761 = arith.constant 6 : i32
      %shift_left3A_762 = vector.broadcast %shift_left3A_761 : i32 to vector<16xi32>
      %shift_left3A_763 = arith.shli %xor3A_759, %shift_left3A_762 : vector<16xi32>
      %shift_right_logical3A_764 = arith.constant 26 : i32
      %shift_right_logical3A_765 = vector.broadcast %shift_right_logical3A_764 : i32 to vector<16xi32>
      %shift_right_logical3A_766 = arith.shrui %xor3A_759, %shift_right_logical3A_765 : vector<16xi32>
      %or3A_767 = arith.ori %shift_left3A_763, %shift_right_logical3A_766 : vector<16xi32>
      %xor3A_768 = arith.xori %or3A_767, %add3A_760 : vector<16xi32>
      %add3A_769 = arith.addi %add3A_760, %add3A_235 : vector<16xi32>
      %add3A_770 = arith.addi %xor3A_768, %add3A_250 : vector<16xi32>
      %add3A_771 = arith.addi %add3A_769, %add3A_770 : vector<16xi32>
      %shift_left3A_772 = arith.constant 17 : i32
      %shift_left3A_773 = vector.broadcast %shift_left3A_772 : i32 to vector<16xi32>
      %shift_left3A_774 = arith.shli %add3A_770, %shift_left3A_773 : vector<16xi32>
      %shift_right_logical3A_775 = arith.constant 15 : i32
      %shift_right_logical3A_776 = vector.broadcast %shift_right_logical3A_775 : i32 to vector<16xi32>
      %shift_right_logical3A_777 = arith.shrui %add3A_770, %shift_right_logical3A_776 : vector<16xi32>
      %or3A_778 = arith.ori %shift_left3A_774, %shift_right_logical3A_777 : vector<16xi32>
      %xor3A_779 = arith.xori %or3A_778, %add3A_771 : vector<16xi32>
      %add3A_780 = arith.addi %add3A_771, %xor3A_779 : vector<16xi32>
      %shift_left3A_781 = arith.constant 29 : i32
      %shift_left3A_782 = vector.broadcast %shift_left3A_781 : i32 to vector<16xi32>
      %shift_left3A_783 = arith.shli %xor3A_779, %shift_left3A_782 : vector<16xi32>
      %shift_right_logical3A_784 = arith.constant 3 : i32
      %shift_right_logical3A_785 = vector.broadcast %shift_right_logical3A_784 : i32 to vector<16xi32>
      %shift_right_logical3A_786 = arith.shrui %xor3A_779, %shift_right_logical3A_785 : vector<16xi32>
      %or3A_787 = arith.ori %shift_left3A_783, %shift_right_logical3A_786 : vector<16xi32>
      %xor3A_788 = arith.xori %or3A_787, %add3A_780 : vector<16xi32>
      %add3A_789 = arith.addi %add3A_780, %xor3A_788 : vector<16xi32>
      %shift_left3A_790 = arith.constant 16 : i32
      %shift_left3A_791 = vector.broadcast %shift_left3A_790 : i32 to vector<16xi32>
      %shift_left3A_792 = arith.shli %xor3A_788, %shift_left3A_791 : vector<16xi32>
      %shift_right_logical3A_793 = arith.constant 16 : i32
      %shift_right_logical3A_794 = vector.broadcast %shift_right_logical3A_793 : i32 to vector<16xi32>
      %shift_right_logical3A_795 = arith.shrui %xor3A_788, %shift_right_logical3A_794 : vector<16xi32>
      %or3A_796 = arith.ori %shift_left3A_792, %shift_right_logical3A_795 : vector<16xi32>
      %xor3A_797 = arith.xori %or3A_796, %add3A_789 : vector<16xi32>
      %add3A_798 = arith.addi %add3A_789, %xor3A_797 : vector<16xi32>
      %shift_left3A_799 = arith.constant 24 : i32
      %shift_left3A_800 = vector.broadcast %shift_left3A_799 : i32 to vector<16xi32>
      %shift_left3A_801 = arith.shli %xor3A_797, %shift_left3A_800 : vector<16xi32>
      %shift_right_logical3A_802 = arith.constant 8 : i32
      %shift_right_logical3A_803 = vector.broadcast %shift_right_logical3A_802 : i32 to vector<16xi32>
      %shift_right_logical3A_804 = arith.shrui %xor3A_797, %shift_right_logical3A_803 : vector<16xi32>
      %or3A_805 = arith.ori %shift_left3A_801, %shift_right_logical3A_804 : vector<16xi32>
      %xor3A_806 = arith.xori %or3A_805, %add3A_798 : vector<16xi32>
      %add3A_807 = arith.addi %add3A_798, %add3A_237 : vector<16xi32>
      %add3A_808 = arith.addi %xor3A_806, %add3A_253 : vector<16xi32>
      %add3A_809 = arith.addi %add3A_807, %add3A_808 : vector<16xi32>
      %shift_left3A_810 = arith.constant 13 : i32
      %shift_left3A_811 = vector.broadcast %shift_left3A_810 : i32 to vector<16xi32>
      %shift_left3A_812 = arith.shli %add3A_808, %shift_left3A_811 : vector<16xi32>
      %shift_right_logical3A_813 = arith.constant 19 : i32
      %shift_right_logical3A_814 = vector.broadcast %shift_right_logical3A_813 : i32 to vector<16xi32>
      %shift_right_logical3A_815 = arith.shrui %add3A_808, %shift_right_logical3A_814 : vector<16xi32>
      %or3A_816 = arith.ori %shift_left3A_812, %shift_right_logical3A_815 : vector<16xi32>
      %xor3A_817 = arith.xori %or3A_816, %add3A_809 : vector<16xi32>
      %add3A_818 = arith.addi %add3A_809, %xor3A_817 : vector<16xi32>
      %shift_left3A_819 = arith.constant 15 : i32
      %shift_left3A_820 = vector.broadcast %shift_left3A_819 : i32 to vector<16xi32>
      %shift_left3A_821 = arith.shli %xor3A_817, %shift_left3A_820 : vector<16xi32>
      %shift_right_logical3A_822 = arith.constant 17 : i32
      %shift_right_logical3A_823 = vector.broadcast %shift_right_logical3A_822 : i32 to vector<16xi32>
      %shift_right_logical3A_824 = arith.shrui %xor3A_817, %shift_right_logical3A_823 : vector<16xi32>
      %or3A_825 = arith.ori %shift_left3A_821, %shift_right_logical3A_824 : vector<16xi32>
      %xor3A_826 = arith.xori %or3A_825, %add3A_818 : vector<16xi32>
      %add3A_827 = arith.addi %add3A_818, %xor3A_826 : vector<16xi32>
      %shift_left3A_828 = arith.constant 26 : i32
      %shift_left3A_829 = vector.broadcast %shift_left3A_828 : i32 to vector<16xi32>
      %shift_left3A_830 = arith.shli %xor3A_826, %shift_left3A_829 : vector<16xi32>
      %shift_right_logical3A_831 = arith.constant 6 : i32
      %shift_right_logical3A_832 = vector.broadcast %shift_right_logical3A_831 : i32 to vector<16xi32>
      %shift_right_logical3A_833 = arith.shrui %xor3A_826, %shift_right_logical3A_832 : vector<16xi32>
      %or3A_834 = arith.ori %shift_left3A_830, %shift_right_logical3A_833 : vector<16xi32>
      %xor3A_835 = arith.xori %or3A_834, %add3A_827 : vector<16xi32>
      %add3A_836 = arith.addi %add3A_827, %xor3A_835 : vector<16xi32>
      %shift_left3A_837 = arith.constant 6 : i32
      %shift_left3A_838 = vector.broadcast %shift_left3A_837 : i32 to vector<16xi32>
      %shift_left3A_839 = arith.shli %xor3A_835, %shift_left3A_838 : vector<16xi32>
      %shift_right_logical3A_840 = arith.constant 26 : i32
      %shift_right_logical3A_841 = vector.broadcast %shift_right_logical3A_840 : i32 to vector<16xi32>
      %shift_right_logical3A_842 = arith.shrui %xor3A_835, %shift_right_logical3A_841 : vector<16xi32>
      %or3A_843 = arith.ori %shift_left3A_839, %shift_right_logical3A_842 : vector<16xi32>
      %xor3A_844 = arith.xori %or3A_843, %add3A_836 : vector<16xi32>
      %add3A_845 = arith.addi %add3A_836, %xor3A_241 : vector<16xi32>
      %add3A_846 = arith.addi %xor3A_844, %add3A_256 : vector<16xi32>
      %xor3A_847 = arith.xori %add3A_845, %add3A_846 : vector<16xi32>
      %shift_right_logical3A_848 = arith.constant 9 : i32
      %shift_right_logical3A_849 = vector.broadcast %shift_right_logical3A_848 : i32 to vector<16xi32>
      %shift_right_logical3A_850 = arith.shrui %xor3A_847, %shift_right_logical3A_849 : vector<16xi32>
      %or3A_851 = arith.constant 1065353216 : i32
      %or3A_852 = vector.broadcast %or3A_851 : i32 to vector<16xi32>
      %or3A_853 = arith.ori %shift_right_logical3A_850, %or3A_852 : vector<16xi32>
      %bitcast_convert_type3A_854 = tpu.bitcast %or3A_853 : vector<16xi32> -> vector<16xf32>
      %sub3A_855 = arith.constant 1.000000e+00 : f32
      %sub3A_856 = vector.broadcast %sub3A_855 : f32 to vector<16xf32>
      %sub3A_857 = arith.subf %bitcast_convert_type3A_854, %sub3A_856 : vector<16xf32>
      %eq3A_858 = arith.constant 0.000000e+00 : f32
      %eq3A_859 = vector.broadcast %eq3A_858 : f32 to vector<16xf32>
      %eq3A_860 = arith.cmpf oeq, %sub3A_857, %eq3A_859 : vector<16xf32>
      %jit3A_861 = arith.constant 1.000000e+00 : f32
      %broadcast_in_dim3A_862 = vector.broadcast %jit3A_861 : f32 to vector<16xf32>
      %select_n3A_863 = arith.select %eq3A_860, %broadcast_in_dim3A_862, %sub3A_857 : vector<16xi1>, vector<16xf32>
      %bitcast_convert_type3A_864 = tpu.bitcast %select_n3A_863 : vector<16xf32> -> vector<16xi32>
      %shift_right_logical3A_865 = arith.constant 23 : i32
      %shift_right_logical3A_866 = vector.broadcast %shift_right_logical3A_865 : i32 to vector<16xi32>
      %shift_right_logical3A_867 = arith.shrui %bitcast_convert_type3A_864, %shift_right_logical3A_866 : vector<16xi32>
      %sub3A_868 = arith.constant 127 : i32
      %sub3A_869 = vector.broadcast %sub3A_868 : i32 to vector<16xi32>
      %sub3A_870 = arith.subi %shift_right_logical3A_867, %sub3A_869 : vector<16xi32>
      %and3A_871 = arith.constant 8388607 : i32
      %and3A_872 = vector.broadcast %and3A_871 : i32 to vector<16xi32>
      %and3A_873 = arith.andi %bitcast_convert_type3A_864, %and3A_872 : vector<16xi32>
      %or3A_874 = arith.constant 1065353216 : i32
      %or3A_875 = vector.broadcast %or3A_874 : i32 to vector<16xi32>
      %or3A_876 = arith.ori %and3A_873, %or3A_875 : vector<16xi32>
      %bitcast_convert_type3A_877 = tpu.bitcast %or3A_876 : vector<16xi32> -> vector<16xf32>
      %ge3A_878 = arith.constant 1.41421354 : f32
      %ge3A_879 = vector.broadcast %ge3A_878 : f32 to vector<16xf32>
      %ge3A_880 = arith.cmpf oge, %bitcast_convert_type3A_877, %ge3A_879 : vector<16xf32>
      %mul3A_881 = arith.constant 5.000000e-01 : f32
      %mul3A_882 = vector.broadcast %mul3A_881 : f32 to vector<16xf32>
      %mul3A_883 = arith.mulf %bitcast_convert_type3A_877, %mul3A_882 : vector<16xf32>
      %select_n3A_884 = arith.select %ge3A_880, %mul3A_883, %bitcast_convert_type3A_877 : vector<16xi1>, vector<16xf32>
      %jit3A_885 = arith.constant 1 : i32
      %jit3A_886 = arith.constant 0 : i32
      %broadcast_in_dim3A_887 = vector.broadcast %jit3A_885 : i32 to vector<16xi32>
      %broadcast_in_dim3A_888 = vector.broadcast %jit3A_886 : i32 to vector<16xi32>
      %select_n3A_889 = arith.select %ge3A_880, %broadcast_in_dim3A_887, %broadcast_in_dim3A_888 : vector<16xi1>, vector<16xi32>
      %add3A_890 = arith.addi %sub3A_870, %select_n3A_889 : vector<16xi32>
      %sub3A_891 = arith.constant 1.000000e+00 : f32
      %sub3A_892 = vector.broadcast %sub3A_891 : f32 to vector<16xf32>
      %sub3A_893 = arith.subf %select_n3A_884, %sub3A_892 : vector<16xf32>
      %add3A_894 = arith.constant 1.000000e+00 : f32
      %add3A_895 = vector.broadcast %add3A_894 : f32 to vector<16xf32>
      %add3A_896 = arith.addf %select_n3A_884, %add3A_895 : vector<16xf32>
      %div3A_897 = arith.divf %sub3A_893, %add3A_896 : vector<16xf32>
      %mul3A_898 = arith.mulf %div3A_897, %div3A_897 : vector<16xf32>
      %mul3A_899 = arith.constant 0.222222224 : f32
      %mul3A_900 = vector.broadcast %mul3A_899 : f32 to vector<16xf32>
      %mul3A_901 = arith.mulf %mul3A_900, %mul3A_898 : vector<16xf32>
      %add3A_902 = arith.constant 0.285714298 : f32
      %add3A_903 = vector.broadcast %add3A_902 : f32 to vector<16xf32>
      %add3A_904 = arith.addf %mul3A_901, %add3A_903 : vector<16xf32>
      %mul3A_905 = arith.mulf %add3A_904, %mul3A_898 : vector<16xf32>
      %add3A_906 = arith.constant 4.000000e-01 : f32
      %add3A_907 = vector.broadcast %add3A_906 : f32 to vector<16xf32>
      %add3A_908 = arith.addf %mul3A_905, %add3A_907 : vector<16xf32>
      %mul3A_909 = arith.mulf %add3A_908, %mul3A_898 : vector<16xf32>
      %add3A_910 = arith.constant 0.666666686 : f32
      %add3A_911 = vector.broadcast %add3A_910 : f32 to vector<16xf32>
      %add3A_912 = arith.addf %mul3A_909, %add3A_911 : vector<16xf32>
      %mul3A_913 = arith.mulf %add3A_912, %mul3A_898 : vector<16xf32>
      %add3A_914 = arith.constant 2.000000e+00 : f32
      %add3A_915 = vector.broadcast %add3A_914 : f32 to vector<16xf32>
      %add3A_916 = arith.addf %mul3A_913, %add3A_915 : vector<16xf32>
      %convert_element_type3A_917 = arith.sitofp %add3A_890 : vector<16xi32> to vector<16xf32>
      %mul3A_918 = arith.constant 0.693147182 : f32
      %mul3A_919 = vector.broadcast %mul3A_918 : f32 to vector<16xf32>
      %mul3A_920 = arith.mulf %convert_element_type3A_917, %mul3A_919 : vector<16xf32>
      %mul3A_921 = arith.mulf %div3A_897, %add3A_916 : vector<16xf32>
      %add3A_922 = arith.addf %mul3A_920, %mul3A_921 : vector<16xf32>
      %sub3A_923 = arith.constant 0.000000e+00 : f32
      %sub3A_924 = vector.broadcast %sub3A_923 : f32 to vector<16xf32>
      %sub3A_925 = arith.subf %sub3A_924, %add3A_922 : vector<16xf32>
      %bitcast_convert_type3A_926 = tpu.bitcast %sub3A_925 : vector<16xf32> -> vector<16xi32>
      %shift_right_logical3A_927 = arith.constant 23 : i32
      %shift_right_logical3A_928 = vector.broadcast %shift_right_logical3A_927 : i32 to vector<16xi32>
      %shift_right_logical3A_929 = arith.shrui %bitcast_convert_type3A_926, %shift_right_logical3A_928 : vector<16xi32>
      %sub3A_930 = arith.constant 127 : i32
      %sub3A_931 = vector.broadcast %sub3A_930 : i32 to vector<16xi32>
      %sub3A_932 = arith.subi %shift_right_logical3A_929, %sub3A_931 : vector<16xi32>
      %and3A_933 = arith.constant 8388607 : i32
      %and3A_934 = vector.broadcast %and3A_933 : i32 to vector<16xi32>
      %and3A_935 = arith.andi %bitcast_convert_type3A_926, %and3A_934 : vector<16xi32>
      %or3A_936 = arith.constant 1065353216 : i32
      %or3A_937 = vector.broadcast %or3A_936 : i32 to vector<16xi32>
      %or3A_938 = arith.ori %and3A_935, %or3A_937 : vector<16xi32>
      %bitcast_convert_type3A_939 = tpu.bitcast %or3A_938 : vector<16xi32> -> vector<16xf32>
      %ge3A_940 = arith.constant 1.41421354 : f32
      %ge3A_941 = vector.broadcast %ge3A_940 : f32 to vector<16xf32>
      %ge3A_942 = arith.cmpf oge, %bitcast_convert_type3A_939, %ge3A_941 : vector<16xf32>
      %mul3A_943 = arith.constant 5.000000e-01 : f32
      %mul3A_944 = vector.broadcast %mul3A_943 : f32 to vector<16xf32>
      %mul3A_945 = arith.mulf %bitcast_convert_type3A_939, %mul3A_944 : vector<16xf32>
      %select_n3A_946 = arith.select %ge3A_942, %mul3A_945, %bitcast_convert_type3A_939 : vector<16xi1>, vector<16xf32>
      %jit3A_947 = arith.constant 1 : i32
      %jit3A_948 = arith.constant 0 : i32
      %broadcast_in_dim3A_949 = vector.broadcast %jit3A_947 : i32 to vector<16xi32>
      %broadcast_in_dim3A_950 = vector.broadcast %jit3A_948 : i32 to vector<16xi32>
      %select_n3A_951 = arith.select %ge3A_942, %broadcast_in_dim3A_949, %broadcast_in_dim3A_950 : vector<16xi1>, vector<16xi32>
      %add3A_952 = arith.addi %sub3A_932, %select_n3A_951 : vector<16xi32>
      %sub3A_953 = arith.constant 1.000000e+00 : f32
      %sub3A_954 = vector.broadcast %sub3A_953 : f32 to vector<16xf32>
      %sub3A_955 = arith.subf %select_n3A_946, %sub3A_954 : vector<16xf32>
      %add3A_956 = arith.constant 1.000000e+00 : f32
      %add3A_957 = vector.broadcast %add3A_956 : f32 to vector<16xf32>
      %add3A_958 = arith.addf %select_n3A_946, %add3A_957 : vector<16xf32>
      %div3A_959 = arith.divf %sub3A_955, %add3A_958 : vector<16xf32>
      %mul3A_960 = arith.mulf %div3A_959, %div3A_959 : vector<16xf32>
      %mul3A_961 = arith.constant 0.222222224 : f32
      %mul3A_962 = vector.broadcast %mul3A_961 : f32 to vector<16xf32>
      %mul3A_963 = arith.mulf %mul3A_962, %mul3A_960 : vector<16xf32>
      %add3A_964 = arith.constant 0.285714298 : f32
      %add3A_965 = vector.broadcast %add3A_964 : f32 to vector<16xf32>
      %add3A_966 = arith.addf %mul3A_963, %add3A_965 : vector<16xf32>
      %mul3A_967 = arith.mulf %add3A_966, %mul3A_960 : vector<16xf32>
      %add3A_968 = arith.constant 4.000000e-01 : f32
      %add3A_969 = vector.broadcast %add3A_968 : f32 to vector<16xf32>
      %add3A_970 = arith.addf %mul3A_967, %add3A_969 : vector<16xf32>
      %mul3A_971 = arith.mulf %add3A_970, %mul3A_960 : vector<16xf32>
      %add3A_972 = arith.constant 0.666666686 : f32
      %add3A_973 = vector.broadcast %add3A_972 : f32 to vector<16xf32>
      %add3A_974 = arith.addf %mul3A_971, %add3A_973 : vector<16xf32>
      %mul3A_975 = arith.mulf %add3A_974, %mul3A_960 : vector<16xf32>
      %add3A_976 = arith.constant 2.000000e+00 : f32
      %add3A_977 = vector.broadcast %add3A_976 : f32 to vector<16xf32>
      %add3A_978 = arith.addf %mul3A_975, %add3A_977 : vector<16xf32>
      %convert_element_type3A_979 = arith.sitofp %add3A_952 : vector<16xi32> to vector<16xf32>
      %mul3A_980 = arith.constant 0.693147182 : f32
      %mul3A_981 = vector.broadcast %mul3A_980 : f32 to vector<16xf32>
      %mul3A_982 = arith.mulf %convert_element_type3A_979, %mul3A_981 : vector<16xf32>
      %mul3A_983 = arith.mulf %div3A_959, %add3A_978 : vector<16xf32>
      %add3A_984 = arith.addf %mul3A_982, %mul3A_983 : vector<16xf32>
      %mul3A_985 = arith.constant 2 : i32
      %mul3A_986 = arith.muli %scan3A_293, %mul3A_985 : i32
      %add3A_987 = arith.constant 1 : i32
      %add3A_988 = arith.addi %mul3A_986, %add3A_987 : i32
      %mul3A_989 = arith.constant 16 : i32
      %mul3A_990 = arith.muli %add3A_988, %mul3A_989 : i32
      %get3A_991 = arith.index_cast %mul3A_990 : i32 to index
      %get3A_992 = tpu.vector_load %arg6[%get3A_991] {strides = array<i32>} : memref<768xf32, #tpu.memory_space<vmem>>, vector<16xf32>,
      %sub3A_993 = arith.subf %add3A_984, %get3A_992 : vector<16xf32>
      %eq3A_994 = arith.constant 0.000000e+00 : f32
      %eq3A_995 = vector.broadcast %eq3A_994 : f32 to vector<16xf32>
      %eq3A_996 = arith.cmpf oeq, %sub3A_857, %eq3A_995 : vector<16xf32>
      %select_n3A_997 = arith.select %eq3A_996, %broadcast_in_dim3A_258, %sub3A_993 : vector<16xi1>, vector<16xf32>
      %lt3A_998 = arith.cmpf olt, %select_n3A_997, %select_n3A_644 : vector<16xf32>
      %select_n3A_999 = arith.select %lt3A_998, %select_n3A_997, %select_n3A_644 : vector<16xi1>, vector<16xf32>
      %select_n3A_1000 = arith.select %lt3A_998, %add3A_654, %select_n3A_645 : vector<16xi1>, vector<16xi32>
      scf.yield %select_n3A_999, %select_n3A_1000 : vector<16xf32>, vector<16xi32>
    }
    %scan3A_265 = arith.constant 24 : i32
    %reduce_min3A = arith.constant true
    %reduce_min3A_266 = vector.broadcast %reduce_min3A : i1 to vector<16xi1>
    %reduce_min3A_267 = tpu.scan <min>, %scan3A_264#0 masked %reduce_min3A_266 : vector<16xf32>, vector<16xi1> -> vector<16xf32>
    %reduce_min3A_268 = vector.extract %reduce_min3A_267[15] : f32 from vector<16xf32>
    %eq3A_269 = vector.broadcast %reduce_min3A_268 : f32 to vector<16xf32>
    %eq3A_270 = arith.cmpf oeq, %scan3A_264#0, %eq3A_269 : vector<16xf32>
    %jit3A_271 = arith.constant 1073741824 : i32
    %broadcast_in_dim3A_272 = vector.broadcast %jit3A_271 : i32 to vector<16xi32>
    %select_n3A_273 = arith.select %eq3A_270, %scan3A_264#1, %broadcast_in_dim3A_272 : vector<16xi1>, vector<16xi32>
    %reduce_min3A_274 = arith.constant true
    %reduce_min3A_275 = vector.broadcast %reduce_min3A_274 : i1 to vector<16xi1>
    %reduce_min3A_276 = arith.constant -2147483648 : i32
    %reduce_min3A_277 = vector.broadcast %reduce_min3A_276 : i32 to vector<16xi32>
    %reduce_min3A_278 = arith.xori %select_n3A_273, %reduce_min3A_277 : vector<16xi32>
    %reduce_min3A_279 = tpu.scan <min>, %reduce_min3A_278 masked %reduce_min3A_275 : vector<16xi32>, vector<16xi1> -> vector<16xi32>
    %reduce_min3A_280 = arith.xori %reduce_min3A_279, %reduce_min3A_277 : vector<16xi32>
    %reduce_min3A_281 = vector.extract %reduce_min3A_280[15] : i32 from vector<16xi32>
    %broadcast_in_dim3A_282 = vector.broadcast %reduce_min3A_268 : f32 to vector<16xf32>
    %swap3A = arith.constant 0 : index
    %swap3A_283 = tpu.vector_load %arg7[%swap3A] {strides = array<i32>} : memref<16xf32, #tpu.memory_space<vmem>>, vector<16xf32>,
    tpu.vector_store %arg7[%swap3A], %broadcast_in_dim3A_282 {strides = array<i32>} : memref<16xf32, #tpu.memory_space<vmem>>, vector<16xf32>,
    %convert_element_type3A = arith.sitofp %reduce_min3A_281 : i32 to f32
    %broadcast_in_dim3A_284 = vector.broadcast %convert_element_type3A : f32 to vector<16xf32>
    %swap3A_285 = arith.constant 0 : index
    %swap3A_286 = tpu.vector_load %arg8[%swap3A_285] {strides = array<i32>} : memref<16xf32, #tpu.memory_space<vmem>>, vector<16xf32>,
    tpu.vector_store %arg8[%swap3A_285], %broadcast_in_dim3A_284 {strides = array<i32>} : memref<16xf32, #tpu.memory_space<vmem>>, vector<16xf32>,
    %mul3A_287 = arith.constant 16 : i32
    %mul3A_288 = arith.muli %add3A, %mul3A_287 : i32
    "tpu.region"() ({
      %run_scoped3A_293 = tpu.sem_alloc : memref<!tpu.dma_semaphore, #tpu.memory_space<semaphore_mem>>
      %dma_start3A = tpu.memref_slice %arg4[%mul3A_288] : memref<1024xf32, #tpu.memory_space<hbm>> -> memref<16xf32, #tpu.memory_space<hbm>>
      %dma_start3A_294 = tpu.memref_slice %arg4[%mul3A_288] : memref<1024xf32, #tpu.memory_space<hbm>> -> memref<16xf32, #tpu.memory_space<hbm>>
      tpu.enqueue_dma source(%arg7 : memref<16xf32, #tpu.memory_space<vmem>>) target(%dma_start3A_294 : memref<16xf32, #tpu.memory_space<hbm>>) target_semaphore(%run_scoped3A_293 : memref<!tpu.dma_semaphore, #tpu.memory_space<semaphore_mem>>)
      %dma_wait3A = tpu.memref_slice %arg4[%mul3A_288] : memref<1024xf32, #tpu.memory_space<hbm>> -> memref<16xf32, #tpu.memory_space<hbm>>
      %dma_wait3A_295 = tpu.memref_slice %arg4[%mul3A_288] : memref<1024xf32, #tpu.memory_space<hbm>> -> memref<16xf32, #tpu.memory_space<hbm>>
      tpu.wait_dma2 semaphore(%run_scoped3A_293 : memref<!tpu.dma_semaphore, #tpu.memory_space<semaphore_mem>>) src(%arg7 : memref<16xf32, #tpu.memory_space<vmem>>) dst(%dma_wait3A_295 : memref<16xf32, #tpu.memory_space<hbm>>)
      tpu.yield
    }) : () -> ()
    %mul3A_289 = arith.constant 16 : i32
    %mul3A_290 = arith.muli %add3A, %mul3A_289 : i32
    %add3A_291 = arith.constant 512 : i32
    %add3A_292 = arith.addi %add3A_291, %mul3A_290 : i32
    "tpu.region"() ({
      %run_scoped3A_293 = tpu.sem_alloc : memref<!tpu.dma_semaphore, #tpu.memory_space<semaphore_mem>>
      %dma_start3A = tpu.memref_slice %arg4[%add3A_292] : memref<1024xf32, #tpu.memory_space<hbm>> -> memref<16xf32, #tpu.memory_space<hbm>>
      %dma_start3A_294 = tpu.memref_slice %arg4[%add3A_292] : memref<1024xf32, #tpu.memory_space<hbm>> -> memref<16xf32, #tpu.memory_space<hbm>>
      tpu.enqueue_dma source(%arg8 : memref<16xf32, #tpu.memory_space<vmem>>) target(%dma_start3A_294 : memref<16xf32, #tpu.memory_space<hbm>>) target_semaphore(%run_scoped3A_293 : memref<!tpu.dma_semaphore, #tpu.memory_space<semaphore_mem>>)
      %dma_wait3A = tpu.memref_slice %arg4[%add3A_292] : memref<1024xf32, #tpu.memory_space<hbm>> -> memref<16xf32, #tpu.memory_space<hbm>>
      %dma_wait3A_295 = tpu.memref_slice %arg4[%add3A_292] : memref<1024xf32, #tpu.memory_space<hbm>> -> memref<16xf32, #tpu.memory_space<hbm>>
      tpu.wait_dma2 semaphore(%run_scoped3A_293 : memref<!tpu.dma_semaphore, #tpu.memory_space<semaphore_mem>>) src(%arg8 : memref<16xf32, #tpu.memory_space<vmem>>) dst(%dma_wait3A_295 : memref<16xf32, #tpu.memory_space<hbm>>)
      tpu.yield
    }) : () -> ()
    return
  }
}

module attributes {stable_mosaic.version = 14 : i64} {
  func.func @_tc_score_kernel(%arg0: i32, %arg1: memref<1x2048xi32, #tpu.memory_space<vmem>>, %arg2: memref<19x8x512xf32, #tpu.memory_space<vmem>>, %arg3: memref<1x128xf32, #tpu.memory_space<vmem>>) attributes {dimension_semantics = [#tpu.dimension_semantics<arbitrary>], iteration_bounds = array<i64: 1>, scalar_prefetch = 0 : i64, scratch_operands = 0 : i64, tpu.core_type = #tpu.core_type<tc>, window_params = [{pipeline_mode = #tpu.pipeline_mode<synchronous>, transform_indices = @transform_0, window_bounds = array<i64: 1, 2048>}, {pipeline_mode = #tpu.pipeline_mode<synchronous>, transform_indices = @transform_1, window_bounds = array<i64: 19, 8, 512>}, {pipeline_mode = #tpu.pipeline_mode<synchronous>, transform_indices = @transform_2, window_bounds = array<i64: 1, 128>}]} {
    %get3A = arith.constant 0 : index
    %get3A_0 = arith.constant 2044 : index
    %get3A_1 = vector.load %arg1[%get3A, %get3A_0] : memref<1x2048xi32, #tpu.memory_space<vmem>>, vector<1x4xi32>
    %get3A_2 = vector.shape_cast %get3A_1 : vector<1x4xi32> to vector<4xi32>
    %reduce_sum3A = vector.shape_cast %get3A_2 : vector<4xi32> to vector<1x4xi32>
    %reduce_sum3A_3 = arith.constant dense<0> : vector<1xi32>
    %reduce_sum3A_4 = vector.multi_reduction <add>, %reduce_sum3A, %reduce_sum3A_3 [1] : vector<1x4xi32> to vector<1xi32>
    %reduce_sum3A_5 = vector.shape_cast %reduce_sum3A_4 : vector<1xi32> to vector<1x1xi32>
    %reduce_sum3A_6 = vector.extract %reduce_sum3A_5[0, 0] : i32 from vector<1x1xi32>
    %xor3A = arith.constant 1832780943 : i32
    %xor3A_7 = arith.constant 270669613 : i32
    %xor3A_8 = arith.xori %xor3A, %xor3A_7 : i32
    %xor3A_9 = arith.constant 466688986 : i32
    %xor3A_10 = arith.xori %xor3A_8, %xor3A_9 : i32
    %add3A = arith.constant 1 : i32
    %add3A_11 = arith.addi %xor3A_10, %add3A : i32
    %add3A_12 = arith.constant 1832780943 : i32
    %add3A_13 = arith.constant 2 : i32
    %add3A_14 = arith.addi %add3A_12, %add3A_13 : i32
    %add3A_15 = arith.constant 270669613 : i32
    %add3A_16 = arith.constant 3 : i32
    %add3A_17 = arith.addi %add3A_15, %add3A_16 : i32
    %add3A_18 = arith.constant 4 : i32
    %add3A_19 = arith.addi %xor3A_10, %add3A_18 : i32
    %add3A_20 = arith.constant 1832780943 : i32
    %add3A_21 = arith.constant 5 : i32
    %add3A_22 = arith.addi %add3A_20, %add3A_21 : i32
    %add3A_23 = arith.constant 0 : i32
    %add3A_24 = arith.constant 1832780943 : i32
    %add3A_25 = arith.addi %add3A_23, %add3A_24 : i32
    %add3A_26 = arith.constant 270669613 : i32
    %add3A_27 = arith.addi %reduce_sum3A_6, %add3A_26 : i32
    %add3A_28 = arith.addi %add3A_25, %add3A_27 : i32
    %shift_left3A = arith.constant 13 : i32
    %shift_left3A_29 = arith.shli %add3A_27, %shift_left3A : i32
    %shift_right_logical3A = arith.constant 19 : i32
    %shift_right_logical3A_30 = arith.shrui %add3A_27, %shift_right_logical3A : i32
    %or3A = arith.ori %shift_left3A_29, %shift_right_logical3A_30 : i32
    %xor3A_31 = arith.xori %or3A, %add3A_28 : i32
    %add3A_32 = arith.addi %add3A_28, %xor3A_31 : i32
    %shift_left3A_33 = arith.constant 15 : i32
    %shift_left3A_34 = arith.shli %xor3A_31, %shift_left3A_33 : i32
    %shift_right_logical3A_35 = arith.constant 17 : i32
    %shift_right_logical3A_36 = arith.shrui %xor3A_31, %shift_right_logical3A_35 : i32
    %or3A_37 = arith.ori %shift_left3A_34, %shift_right_logical3A_36 : i32
    %xor3A_38 = arith.xori %or3A_37, %add3A_32 : i32
    %add3A_39 = arith.addi %add3A_32, %xor3A_38 : i32
    %shift_left3A_40 = arith.constant 26 : i32
    %shift_left3A_41 = arith.shli %xor3A_38, %shift_left3A_40 : i32
    %shift_right_logical3A_42 = arith.constant 6 : i32
    %shift_right_logical3A_43 = arith.shrui %xor3A_38, %shift_right_logical3A_42 : i32
    %or3A_44 = arith.ori %shift_left3A_41, %shift_right_logical3A_43 : i32
    %xor3A_45 = arith.xori %or3A_44, %add3A_39 : i32
    %add3A_46 = arith.addi %add3A_39, %xor3A_45 : i32
    %shift_left3A_47 = arith.constant 6 : i32
    %shift_left3A_48 = arith.shli %xor3A_45, %shift_left3A_47 : i32
    %shift_right_logical3A_49 = arith.constant 26 : i32
    %shift_right_logical3A_50 = arith.shrui %xor3A_45, %shift_right_logical3A_49 : i32
    %or3A_51 = arith.ori %shift_left3A_48, %shift_right_logical3A_50 : i32
    %xor3A_52 = arith.xori %or3A_51, %add3A_46 : i32
    %add3A_53 = arith.constant 270669613 : i32
    %add3A_54 = arith.addi %add3A_46, %add3A_53 : i32
    %add3A_55 = arith.addi %xor3A_52, %add3A_11 : i32
    %add3A_56 = arith.addi %add3A_54, %add3A_55 : i32
    %shift_left3A_57 = arith.constant 17 : i32
    %shift_left3A_58 = arith.shli %add3A_55, %shift_left3A_57 : i32
    %shift_right_logical3A_59 = arith.constant 15 : i32
    %shift_right_logical3A_60 = arith.shrui %add3A_55, %shift_right_logical3A_59 : i32
    %or3A_61 = arith.ori %shift_left3A_58, %shift_right_logical3A_60 : i32
    %xor3A_62 = arith.xori %or3A_61, %add3A_56 : i32
    %add3A_63 = arith.addi %add3A_56, %xor3A_62 : i32
    %shift_left3A_64 = arith.constant 29 : i32
    %shift_left3A_65 = arith.shli %xor3A_62, %shift_left3A_64 : i32
    %shift_right_logical3A_66 = arith.constant 3 : i32
    %shift_right_logical3A_67 = arith.shrui %xor3A_62, %shift_right_logical3A_66 : i32
    %or3A_68 = arith.ori %shift_left3A_65, %shift_right_logical3A_67 : i32
    %xor3A_69 = arith.xori %or3A_68, %add3A_63 : i32
    %add3A_70 = arith.addi %add3A_63, %xor3A_69 : i32
    %shift_left3A_71 = arith.constant 16 : i32
    %shift_left3A_72 = arith.shli %xor3A_69, %shift_left3A_71 : i32
    %shift_right_logical3A_73 = arith.constant 16 : i32
    %shift_right_logical3A_74 = arith.shrui %xor3A_69, %shift_right_logical3A_73 : i32
    %or3A_75 = arith.ori %shift_left3A_72, %shift_right_logical3A_74 : i32
    %xor3A_76 = arith.xori %or3A_75, %add3A_70 : i32
    %add3A_77 = arith.addi %add3A_70, %xor3A_76 : i32
    %shift_left3A_78 = arith.constant 24 : i32
    %shift_left3A_79 = arith.shli %xor3A_76, %shift_left3A_78 : i32
    %shift_right_logical3A_80 = arith.constant 8 : i32
    %shift_right_logical3A_81 = arith.shrui %xor3A_76, %shift_right_logical3A_80 : i32
    %or3A_82 = arith.ori %shift_left3A_79, %shift_right_logical3A_81 : i32
    %xor3A_83 = arith.xori %or3A_82, %add3A_77 : i32
    %add3A_84 = arith.addi %add3A_77, %xor3A_10 : i32
    %add3A_85 = arith.addi %xor3A_83, %add3A_14 : i32
    %add3A_86 = arith.addi %add3A_84, %add3A_85 : i32
    %shift_left3A_87 = arith.constant 13 : i32
    %shift_left3A_88 = arith.shli %add3A_85, %shift_left3A_87 : i32
    %shift_right_logical3A_89 = arith.constant 19 : i32
    %shift_right_logical3A_90 = arith.shrui %add3A_85, %shift_right_logical3A_89 : i32
    %or3A_91 = arith.ori %shift_left3A_88, %shift_right_logical3A_90 : i32
    %xor3A_92 = arith.xori %or3A_91, %add3A_86 : i32
    %add3A_93 = arith.addi %add3A_86, %xor3A_92 : i32
    %shift_left3A_94 = arith.constant 15 : i32
    %shift_left3A_95 = arith.shli %xor3A_92, %shift_left3A_94 : i32
    %shift_right_logical3A_96 = arith.constant 17 : i32
    %shift_right_logical3A_97 = arith.shrui %xor3A_92, %shift_right_logical3A_96 : i32
    %or3A_98 = arith.ori %shift_left3A_95, %shift_right_logical3A_97 : i32
    %xor3A_99 = arith.xori %or3A_98, %add3A_93 : i32
    %add3A_100 = arith.addi %add3A_93, %xor3A_99 : i32
    %shift_left3A_101 = arith.constant 26 : i32
    %shift_left3A_102 = arith.shli %xor3A_99, %shift_left3A_101 : i32
    %shift_right_logical3A_103 = arith.constant 6 : i32
    %shift_right_logical3A_104 = arith.shrui %xor3A_99, %shift_right_logical3A_103 : i32
    %or3A_105 = arith.ori %shift_left3A_102, %shift_right_logical3A_104 : i32
    %xor3A_106 = arith.xori %or3A_105, %add3A_100 : i32
    %add3A_107 = arith.addi %add3A_100, %xor3A_106 : i32
    %shift_left3A_108 = arith.constant 6 : i32
    %shift_left3A_109 = arith.shli %xor3A_106, %shift_left3A_108 : i32
    %shift_right_logical3A_110 = arith.constant 26 : i32
    %shift_right_logical3A_111 = arith.shrui %xor3A_106, %shift_right_logical3A_110 : i32
    %or3A_112 = arith.ori %shift_left3A_109, %shift_right_logical3A_111 : i32
    %xor3A_113 = arith.xori %or3A_112, %add3A_107 : i32
    %add3A_114 = arith.constant 1832780943 : i32
    %add3A_115 = arith.addi %add3A_107, %add3A_114 : i32
    %add3A_116 = arith.addi %xor3A_113, %add3A_17 : i32
    %add3A_117 = arith.addi %add3A_115, %add3A_116 : i32
    %shift_left3A_118 = arith.constant 17 : i32
    %shift_left3A_119 = arith.shli %add3A_116, %shift_left3A_118 : i32
    %shift_right_logical3A_120 = arith.constant 15 : i32
    %shift_right_logical3A_121 = arith.shrui %add3A_116, %shift_right_logical3A_120 : i32
    %or3A_122 = arith.ori %shift_left3A_119, %shift_right_logical3A_121 : i32
    %xor3A_123 = arith.xori %or3A_122, %add3A_117 : i32
    %add3A_124 = arith.addi %add3A_117, %xor3A_123 : i32
    %shift_left3A_125 = arith.constant 29 : i32
    %shift_left3A_126 = arith.shli %xor3A_123, %shift_left3A_125 : i32
    %shift_right_logical3A_127 = arith.constant 3 : i32
    %shift_right_logical3A_128 = arith.shrui %xor3A_123, %shift_right_logical3A_127 : i32
    %or3A_129 = arith.ori %shift_left3A_126, %shift_right_logical3A_128 : i32
    %xor3A_130 = arith.xori %or3A_129, %add3A_124 : i32
    %add3A_131 = arith.addi %add3A_124, %xor3A_130 : i32
    %shift_left3A_132 = arith.constant 16 : i32
    %shift_left3A_133 = arith.shli %xor3A_130, %shift_left3A_132 : i32
    %shift_right_logical3A_134 = arith.constant 16 : i32
    %shift_right_logical3A_135 = arith.shrui %xor3A_130, %shift_right_logical3A_134 : i32
    %or3A_136 = arith.ori %shift_left3A_133, %shift_right_logical3A_135 : i32
    %xor3A_137 = arith.xori %or3A_136, %add3A_131 : i32
    %add3A_138 = arith.addi %add3A_131, %xor3A_137 : i32
    %shift_left3A_139 = arith.constant 24 : i32
    %shift_left3A_140 = arith.shli %xor3A_137, %shift_left3A_139 : i32
    %shift_right_logical3A_141 = arith.constant 8 : i32
    %shift_right_logical3A_142 = arith.shrui %xor3A_137, %shift_right_logical3A_141 : i32
    %or3A_143 = arith.ori %shift_left3A_140, %shift_right_logical3A_142 : i32
    %xor3A_144 = arith.xori %or3A_143, %add3A_138 : i32
    %add3A_145 = arith.constant 270669613 : i32
    %add3A_146 = arith.addi %add3A_138, %add3A_145 : i32
    %add3A_147 = arith.addi %xor3A_144, %add3A_19 : i32
    %add3A_148 = arith.addi %add3A_146, %add3A_147 : i32
    %shift_left3A_149 = arith.constant 13 : i32
    %shift_left3A_150 = arith.shli %add3A_147, %shift_left3A_149 : i32
    %shift_right_logical3A_151 = arith.constant 19 : i32
    %shift_right_logical3A_152 = arith.shrui %add3A_147, %shift_right_logical3A_151 : i32
    %or3A_153 = arith.ori %shift_left3A_150, %shift_right_logical3A_152 : i32
    %xor3A_154 = arith.xori %or3A_153, %add3A_148 : i32
    %add3A_155 = arith.addi %add3A_148, %xor3A_154 : i32
    %shift_left3A_156 = arith.constant 15 : i32
    %shift_left3A_157 = arith.shli %xor3A_154, %shift_left3A_156 : i32
    %shift_right_logical3A_158 = arith.constant 17 : i32
    %shift_right_logical3A_159 = arith.shrui %xor3A_154, %shift_right_logical3A_158 : i32
    %or3A_160 = arith.ori %shift_left3A_157, %shift_right_logical3A_159 : i32
    %xor3A_161 = arith.xori %or3A_160, %add3A_155 : i32
    %add3A_162 = arith.addi %add3A_155, %xor3A_161 : i32
    %shift_left3A_163 = arith.constant 26 : i32
    %shift_left3A_164 = arith.shli %xor3A_161, %shift_left3A_163 : i32
    %shift_right_logical3A_165 = arith.constant 6 : i32
    %shift_right_logical3A_166 = arith.shrui %xor3A_161, %shift_right_logical3A_165 : i32
    %or3A_167 = arith.ori %shift_left3A_164, %shift_right_logical3A_166 : i32
    %xor3A_168 = arith.xori %or3A_167, %add3A_162 : i32
    %add3A_169 = arith.addi %add3A_162, %xor3A_168 : i32
    %shift_left3A_170 = arith.constant 6 : i32
    %shift_left3A_171 = arith.shli %xor3A_168, %shift_left3A_170 : i32
    %shift_right_logical3A_172 = arith.constant 26 : i32
    %shift_right_logical3A_173 = arith.shrui %xor3A_168, %shift_right_logical3A_172 : i32
    %or3A_174 = arith.ori %shift_left3A_171, %shift_right_logical3A_173 : i32
    %xor3A_175 = arith.xori %or3A_174, %add3A_169 : i32
    %add3A_176 = arith.addi %add3A_169, %xor3A_10 : i32
    %add3A_177 = arith.addi %xor3A_175, %add3A_22 : i32
    %xor3A_178 = arith.xori %add3A_176, %add3A_177 : i32
    %xor3A_179 = arith.constant 466688986 : i32
    %xor3A_180 = arith.xori %xor3A_178, %xor3A_179 : i32
    %add3A_181 = arith.constant 1 : i32
    %add3A_182 = arith.addi %xor3A_180, %add3A_181 : i32
    %add3A_183 = arith.constant 2 : i32
    %add3A_184 = arith.addi %add3A_176, %add3A_183 : i32
    %add3A_185 = arith.constant 3 : i32
    %add3A_186 = arith.addi %add3A_177, %add3A_185 : i32
    %add3A_187 = arith.constant 4 : i32
    %add3A_188 = arith.addi %xor3A_180, %add3A_187 : i32
    %add3A_189 = arith.constant 5 : i32
    %add3A_190 = arith.addi %add3A_176, %add3A_189 : i32
    %iota3A = tpu.iota {dimensions = array<i32: 0>} : vector<19x8x512xi32>
    %mul3A = arith.constant 4096 : i32
    %mul3A_191 = vector.broadcast %mul3A : i32 to vector<19x8x512xi32>
    %mul3A_192 = arith.muli %iota3A, %mul3A_191 : vector<19x8x512xi32>
    %add3A_193 = arith.constant 24576 : i32
    %add3A_194 = vector.broadcast %add3A_193 : i32 to vector<19x8x512xi32>
    %add3A_195 = arith.addi %add3A_194, %mul3A_192 : vector<19x8x512xi32>
    %iota3A_196 = tpu.iota {dimensions = array<i32: 1>} : vector<19x8x512xi32>
    %mul3A_197 = arith.constant 512 : i32
    %mul3A_198 = vector.broadcast %mul3A_197 : i32 to vector<19x8x512xi32>
    %mul3A_199 = arith.muli %iota3A_196, %mul3A_198 : vector<19x8x512xi32>
    %add3A_200 = arith.addi %add3A_195, %mul3A_199 : vector<19x8x512xi32>
    %iota3A_201 = tpu.iota {dimensions = array<i32: 2>} : vector<19x8x512xi32>
    %add3A_202 = arith.addi %add3A_200, %iota3A_201 : vector<19x8x512xi32>
    %broadcast_in_dim3A = arith.constant 0 : i32
    %broadcast_in_dim3A_203 = vector.broadcast %broadcast_in_dim3A : i32 to vector<19x8x512xi32>
    %add3A_204 = vector.broadcast %add3A_176 : i32 to vector<19x8x512xi32>
    %add3A_205 = arith.addi %broadcast_in_dim3A_203, %add3A_204 : vector<19x8x512xi32>
    %add3A_206 = vector.broadcast %add3A_177 : i32 to vector<19x8x512xi32>
    %add3A_207 = arith.addi %add3A_202, %add3A_206 : vector<19x8x512xi32>
    %add3A_208 = arith.addi %add3A_205, %add3A_207 : vector<19x8x512xi32>
    %shift_left3A_209 = arith.constant 13 : i32
    %shift_left3A_210 = vector.broadcast %shift_left3A_209 : i32 to vector<19x8x512xi32>
    %shift_left3A_211 = arith.shli %add3A_207, %shift_left3A_210 : vector<19x8x512xi32>
    %shift_right_logical3A_212 = arith.constant 19 : i32
    %shift_right_logical3A_213 = vector.broadcast %shift_right_logical3A_212 : i32 to vector<19x8x512xi32>
    %shift_right_logical3A_214 = arith.shrui %add3A_207, %shift_right_logical3A_213 : vector<19x8x512xi32>
    %or3A_215 = arith.ori %shift_left3A_211, %shift_right_logical3A_214 : vector<19x8x512xi32>
    %xor3A_216 = arith.xori %or3A_215, %add3A_208 : vector<19x8x512xi32>
    %add3A_217 = arith.addi %add3A_208, %xor3A_216 : vector<19x8x512xi32>
    %shift_left3A_218 = arith.constant 15 : i32
    %shift_left3A_219 = vector.broadcast %shift_left3A_218 : i32 to vector<19x8x512xi32>
    %shift_left3A_220 = arith.shli %xor3A_216, %shift_left3A_219 : vector<19x8x512xi32>
    %shift_right_logical3A_221 = arith.constant 17 : i32
    %shift_right_logical3A_222 = vector.broadcast %shift_right_logical3A_221 : i32 to vector<19x8x512xi32>
    %shift_right_logical3A_223 = arith.shrui %xor3A_216, %shift_right_logical3A_222 : vector<19x8x512xi32>
    %or3A_224 = arith.ori %shift_left3A_220, %shift_right_logical3A_223 : vector<19x8x512xi32>
    %xor3A_225 = arith.xori %or3A_224, %add3A_217 : vector<19x8x512xi32>
    %add3A_226 = arith.addi %add3A_217, %xor3A_225 : vector<19x8x512xi32>
    %shift_left3A_227 = arith.constant 26 : i32
    %shift_left3A_228 = vector.broadcast %shift_left3A_227 : i32 to vector<19x8x512xi32>
    %shift_left3A_229 = arith.shli %xor3A_225, %shift_left3A_228 : vector<19x8x512xi32>
    %shift_right_logical3A_230 = arith.constant 6 : i32
    %shift_right_logical3A_231 = vector.broadcast %shift_right_logical3A_230 : i32 to vector<19x8x512xi32>
    %shift_right_logical3A_232 = arith.shrui %xor3A_225, %shift_right_logical3A_231 : vector<19x8x512xi32>
    %or3A_233 = arith.ori %shift_left3A_229, %shift_right_logical3A_232 : vector<19x8x512xi32>
    %xor3A_234 = arith.xori %or3A_233, %add3A_226 : vector<19x8x512xi32>
    %add3A_235 = arith.addi %add3A_226, %xor3A_234 : vector<19x8x512xi32>
    %shift_left3A_236 = arith.constant 6 : i32
    %shift_left3A_237 = vector.broadcast %shift_left3A_236 : i32 to vector<19x8x512xi32>
    %shift_left3A_238 = arith.shli %xor3A_234, %shift_left3A_237 : vector<19x8x512xi32>
    %shift_right_logical3A_239 = arith.constant 26 : i32
    %shift_right_logical3A_240 = vector.broadcast %shift_right_logical3A_239 : i32 to vector<19x8x512xi32>
    %shift_right_logical3A_241 = arith.shrui %xor3A_234, %shift_right_logical3A_240 : vector<19x8x512xi32>
    %or3A_242 = arith.ori %shift_left3A_238, %shift_right_logical3A_241 : vector<19x8x512xi32>
    %xor3A_243 = arith.xori %or3A_242, %add3A_235 : vector<19x8x512xi32>
    %add3A_244 = vector.broadcast %add3A_177 : i32 to vector<19x8x512xi32>
    %add3A_245 = arith.addi %add3A_235, %add3A_244 : vector<19x8x512xi32>
    %add3A_246 = vector.broadcast %add3A_182 : i32 to vector<19x8x512xi32>
    %add3A_247 = arith.addi %xor3A_243, %add3A_246 : vector<19x8x512xi32>
    %add3A_248 = arith.addi %add3A_245, %add3A_247 : vector<19x8x512xi32>
    %shift_left3A_249 = arith.constant 17 : i32
    %shift_left3A_250 = vector.broadcast %shift_left3A_249 : i32 to vector<19x8x512xi32>
    %shift_left3A_251 = arith.shli %add3A_247, %shift_left3A_250 : vector<19x8x512xi32>
    %shift_right_logical3A_252 = arith.constant 15 : i32
    %shift_right_logical3A_253 = vector.broadcast %shift_right_logical3A_252 : i32 to vector<19x8x512xi32>
    %shift_right_logical3A_254 = arith.shrui %add3A_247, %shift_right_logical3A_253 : vector<19x8x512xi32>
    %or3A_255 = arith.ori %shift_left3A_251, %shift_right_logical3A_254 : vector<19x8x512xi32>
    %xor3A_256 = arith.xori %or3A_255, %add3A_248 : vector<19x8x512xi32>
    %add3A_257 = arith.addi %add3A_248, %xor3A_256 : vector<19x8x512xi32>
    %shift_left3A_258 = arith.constant 29 : i32
    %shift_left3A_259 = vector.broadcast %shift_left3A_258 : i32 to vector<19x8x512xi32>
    %shift_left3A_260 = arith.shli %xor3A_256, %shift_left3A_259 : vector<19x8x512xi32>
    %shift_right_logical3A_261 = arith.constant 3 : i32
    %shift_right_logical3A_262 = vector.broadcast %shift_right_logical3A_261 : i32 to vector<19x8x512xi32>
    %shift_right_logical3A_263 = arith.shrui %xor3A_256, %shift_right_logical3A_262 : vector<19x8x512xi32>
    %or3A_264 = arith.ori %shift_left3A_260, %shift_right_logical3A_263 : vector<19x8x512xi32>
    %xor3A_265 = arith.xori %or3A_264, %add3A_257 : vector<19x8x512xi32>
    %add3A_266 = arith.addi %add3A_257, %xor3A_265 : vector<19x8x512xi32>
    %shift_left3A_267 = arith.constant 16 : i32
    %shift_left3A_268 = vector.broadcast %shift_left3A_267 : i32 to vector<19x8x512xi32>
    %shift_left3A_269 = arith.shli %xor3A_265, %shift_left3A_268 : vector<19x8x512xi32>
    %shift_right_logical3A_270 = arith.constant 16 : i32
    %shift_right_logical3A_271 = vector.broadcast %shift_right_logical3A_270 : i32 to vector<19x8x512xi32>
    %shift_right_logical3A_272 = arith.shrui %xor3A_265, %shift_right_logical3A_271 : vector<19x8x512xi32>
    %or3A_273 = arith.ori %shift_left3A_269, %shift_right_logical3A_272 : vector<19x8x512xi32>
    %xor3A_274 = arith.xori %or3A_273, %add3A_266 : vector<19x8x512xi32>
    %add3A_275 = arith.addi %add3A_266, %xor3A_274 : vector<19x8x512xi32>
    %shift_left3A_276 = arith.constant 24 : i32
    %shift_left3A_277 = vector.broadcast %shift_left3A_276 : i32 to vector<19x8x512xi32>
    %shift_left3A_278 = arith.shli %xor3A_274, %shift_left3A_277 : vector<19x8x512xi32>
    %shift_right_logical3A_279 = arith.constant 8 : i32
    %shift_right_logical3A_280 = vector.broadcast %shift_right_logical3A_279 : i32 to vector<19x8x512xi32>
    %shift_right_logical3A_281 = arith.shrui %xor3A_274, %shift_right_logical3A_280 : vector<19x8x512xi32>
    %or3A_282 = arith.ori %shift_left3A_278, %shift_right_logical3A_281 : vector<19x8x512xi32>
    %xor3A_283 = arith.xori %or3A_282, %add3A_275 : vector<19x8x512xi32>
    %add3A_284 = vector.broadcast %xor3A_180 : i32 to vector<19x8x512xi32>
    %add3A_285 = arith.addi %add3A_275, %add3A_284 : vector<19x8x512xi32>
    %add3A_286 = vector.broadcast %add3A_184 : i32 to vector<19x8x512xi32>
    %add3A_287 = arith.addi %xor3A_283, %add3A_286 : vector<19x8x512xi32>
    %add3A_288 = arith.addi %add3A_285, %add3A_287 : vector<19x8x512xi32>
    %shift_left3A_289 = arith.constant 13 : i32
    %shift_left3A_290 = vector.broadcast %shift_left3A_289 : i32 to vector<19x8x512xi32>
    %shift_left3A_291 = arith.shli %add3A_287, %shift_left3A_290 : vector<19x8x512xi32>
    %shift_right_logical3A_292 = arith.constant 19 : i32
    %shift_right_logical3A_293 = vector.broadcast %shift_right_logical3A_292 : i32 to vector<19x8x512xi32>
    %shift_right_logical3A_294 = arith.shrui %add3A_287, %shift_right_logical3A_293 : vector<19x8x512xi32>
    %or3A_295 = arith.ori %shift_left3A_291, %shift_right_logical3A_294 : vector<19x8x512xi32>
    %xor3A_296 = arith.xori %or3A_295, %add3A_288 : vector<19x8x512xi32>
    %add3A_297 = arith.addi %add3A_288, %xor3A_296 : vector<19x8x512xi32>
    %shift_left3A_298 = arith.constant 15 : i32
    %shift_left3A_299 = vector.broadcast %shift_left3A_298 : i32 to vector<19x8x512xi32>
    %shift_left3A_300 = arith.shli %xor3A_296, %shift_left3A_299 : vector<19x8x512xi32>
    %shift_right_logical3A_301 = arith.constant 17 : i32
    %shift_right_logical3A_302 = vector.broadcast %shift_right_logical3A_301 : i32 to vector<19x8x512xi32>
    %shift_right_logical3A_303 = arith.shrui %xor3A_296, %shift_right_logical3A_302 : vector<19x8x512xi32>
    %or3A_304 = arith.ori %shift_left3A_300, %shift_right_logical3A_303 : vector<19x8x512xi32>
    %xor3A_305 = arith.xori %or3A_304, %add3A_297 : vector<19x8x512xi32>
    %add3A_306 = arith.addi %add3A_297, %xor3A_305 : vector<19x8x512xi32>
    %shift_left3A_307 = arith.constant 26 : i32
    %shift_left3A_308 = vector.broadcast %shift_left3A_307 : i32 to vector<19x8x512xi32>
    %shift_left3A_309 = arith.shli %xor3A_305, %shift_left3A_308 : vector<19x8x512xi32>
    %shift_right_logical3A_310 = arith.constant 6 : i32
    %shift_right_logical3A_311 = vector.broadcast %shift_right_logical3A_310 : i32 to vector<19x8x512xi32>
    %shift_right_logical3A_312 = arith.shrui %xor3A_305, %shift_right_logical3A_311 : vector<19x8x512xi32>
    %or3A_313 = arith.ori %shift_left3A_309, %shift_right_logical3A_312 : vector<19x8x512xi32>
    %xor3A_314 = arith.xori %or3A_313, %add3A_306 : vector<19x8x512xi32>
    %add3A_315 = arith.addi %add3A_306, %xor3A_314 : vector<19x8x512xi32>
    %shift_left3A_316 = arith.constant 6 : i32
    %shift_left3A_317 = vector.broadcast %shift_left3A_316 : i32 to vector<19x8x512xi32>
    %shift_left3A_318 = arith.shli %xor3A_314, %shift_left3A_317 : vector<19x8x512xi32>
    %shift_right_logical3A_319 = arith.constant 26 : i32
    %shift_right_logical3A_320 = vector.broadcast %shift_right_logical3A_319 : i32 to vector<19x8x512xi32>
    %shift_right_logical3A_321 = arith.shrui %xor3A_314, %shift_right_logical3A_320 : vector<19x8x512xi32>
    %or3A_322 = arith.ori %shift_left3A_318, %shift_right_logical3A_321 : vector<19x8x512xi32>
    %xor3A_323 = arith.xori %or3A_322, %add3A_315 : vector<19x8x512xi32>
    %add3A_324 = vector.broadcast %add3A_176 : i32 to vector<19x8x512xi32>
    %add3A_325 = arith.addi %add3A_315, %add3A_324 : vector<19x8x512xi32>
    %add3A_326 = vector.broadcast %add3A_186 : i32 to vector<19x8x512xi32>
    %add3A_327 = arith.addi %xor3A_323, %add3A_326 : vector<19x8x512xi32>
    %add3A_328 = arith.addi %add3A_325, %add3A_327 : vector<19x8x512xi32>
    %shift_left3A_329 = arith.constant 17 : i32
    %shift_left3A_330 = vector.broadcast %shift_left3A_329 : i32 to vector<19x8x512xi32>
    %shift_left3A_331 = arith.shli %add3A_327, %shift_left3A_330 : vector<19x8x512xi32>
    %shift_right_logical3A_332 = arith.constant 15 : i32
    %shift_right_logical3A_333 = vector.broadcast %shift_right_logical3A_332 : i32 to vector<19x8x512xi32>
    %shift_right_logical3A_334 = arith.shrui %add3A_327, %shift_right_logical3A_333 : vector<19x8x512xi32>
    %or3A_335 = arith.ori %shift_left3A_331, %shift_right_logical3A_334 : vector<19x8x512xi32>
    %xor3A_336 = arith.xori %or3A_335, %add3A_328 : vector<19x8x512xi32>
    %add3A_337 = arith.addi %add3A_328, %xor3A_336 : vector<19x8x512xi32>
    %shift_left3A_338 = arith.constant 29 : i32
    %shift_left3A_339 = vector.broadcast %shift_left3A_338 : i32 to vector<19x8x512xi32>
    %shift_left3A_340 = arith.shli %xor3A_336, %shift_left3A_339 : vector<19x8x512xi32>
    %shift_right_logical3A_341 = arith.constant 3 : i32
    %shift_right_logical3A_342 = vector.broadcast %shift_right_logical3A_341 : i32 to vector<19x8x512xi32>
    %shift_right_logical3A_343 = arith.shrui %xor3A_336, %shift_right_logical3A_342 : vector<19x8x512xi32>
    %or3A_344 = arith.ori %shift_left3A_340, %shift_right_logical3A_343 : vector<19x8x512xi32>
    %xor3A_345 = arith.xori %or3A_344, %add3A_337 : vector<19x8x512xi32>
    %add3A_346 = arith.addi %add3A_337, %xor3A_345 : vector<19x8x512xi32>
    %shift_left3A_347 = arith.constant 16 : i32
    %shift_left3A_348 = vector.broadcast %shift_left3A_347 : i32 to vector<19x8x512xi32>
    %shift_left3A_349 = arith.shli %xor3A_345, %shift_left3A_348 : vector<19x8x512xi32>
    %shift_right_logical3A_350 = arith.constant 16 : i32
    %shift_right_logical3A_351 = vector.broadcast %shift_right_logical3A_350 : i32 to vector<19x8x512xi32>
    %shift_right_logical3A_352 = arith.shrui %xor3A_345, %shift_right_logical3A_351 : vector<19x8x512xi32>
    %or3A_353 = arith.ori %shift_left3A_349, %shift_right_logical3A_352 : vector<19x8x512xi32>
    %xor3A_354 = arith.xori %or3A_353, %add3A_346 : vector<19x8x512xi32>
    %add3A_355 = arith.addi %add3A_346, %xor3A_354 : vector<19x8x512xi32>
    %shift_left3A_356 = arith.constant 24 : i32
    %shift_left3A_357 = vector.broadcast %shift_left3A_356 : i32 to vector<19x8x512xi32>
    %shift_left3A_358 = arith.shli %xor3A_354, %shift_left3A_357 : vector<19x8x512xi32>
    %shift_right_logical3A_359 = arith.constant 8 : i32
    %shift_right_logical3A_360 = vector.broadcast %shift_right_logical3A_359 : i32 to vector<19x8x512xi32>
    %shift_right_logical3A_361 = arith.shrui %xor3A_354, %shift_right_logical3A_360 : vector<19x8x512xi32>
    %or3A_362 = arith.ori %shift_left3A_358, %shift_right_logical3A_361 : vector<19x8x512xi32>
    %xor3A_363 = arith.xori %or3A_362, %add3A_355 : vector<19x8x512xi32>
    %add3A_364 = vector.broadcast %add3A_177 : i32 to vector<19x8x512xi32>
    %add3A_365 = arith.addi %add3A_355, %add3A_364 : vector<19x8x512xi32>
    %add3A_366 = vector.broadcast %add3A_188 : i32 to vector<19x8x512xi32>
    %add3A_367 = arith.addi %xor3A_363, %add3A_366 : vector<19x8x512xi32>
    %add3A_368 = arith.addi %add3A_365, %add3A_367 : vector<19x8x512xi32>
    %shift_left3A_369 = arith.constant 13 : i32
    %shift_left3A_370 = vector.broadcast %shift_left3A_369 : i32 to vector<19x8x512xi32>
    %shift_left3A_371 = arith.shli %add3A_367, %shift_left3A_370 : vector<19x8x512xi32>
    %shift_right_logical3A_372 = arith.constant 19 : i32
    %shift_right_logical3A_373 = vector.broadcast %shift_right_logical3A_372 : i32 to vector<19x8x512xi32>
    %shift_right_logical3A_374 = arith.shrui %add3A_367, %shift_right_logical3A_373 : vector<19x8x512xi32>
    %or3A_375 = arith.ori %shift_left3A_371, %shift_right_logical3A_374 : vector<19x8x512xi32>
    %xor3A_376 = arith.xori %or3A_375, %add3A_368 : vector<19x8x512xi32>
    %add3A_377 = arith.addi %add3A_368, %xor3A_376 : vector<19x8x512xi32>
    %shift_left3A_378 = arith.constant 15 : i32
    %shift_left3A_379 = vector.broadcast %shift_left3A_378 : i32 to vector<19x8x512xi32>
    %shift_left3A_380 = arith.shli %xor3A_376, %shift_left3A_379 : vector<19x8x512xi32>
    %shift_right_logical3A_381 = arith.constant 17 : i32
    %shift_right_logical3A_382 = vector.broadcast %shift_right_logical3A_381 : i32 to vector<19x8x512xi32>
    %shift_right_logical3A_383 = arith.shrui %xor3A_376, %shift_right_logical3A_382 : vector<19x8x512xi32>
    %or3A_384 = arith.ori %shift_left3A_380, %shift_right_logical3A_383 : vector<19x8x512xi32>
    %xor3A_385 = arith.xori %or3A_384, %add3A_377 : vector<19x8x512xi32>
    %add3A_386 = arith.addi %add3A_377, %xor3A_385 : vector<19x8x512xi32>
    %shift_left3A_387 = arith.constant 26 : i32
    %shift_left3A_388 = vector.broadcast %shift_left3A_387 : i32 to vector<19x8x512xi32>
    %shift_left3A_389 = arith.shli %xor3A_385, %shift_left3A_388 : vector<19x8x512xi32>
    %shift_right_logical3A_390 = arith.constant 6 : i32
    %shift_right_logical3A_391 = vector.broadcast %shift_right_logical3A_390 : i32 to vector<19x8x512xi32>
    %shift_right_logical3A_392 = arith.shrui %xor3A_385, %shift_right_logical3A_391 : vector<19x8x512xi32>
    %or3A_393 = arith.ori %shift_left3A_389, %shift_right_logical3A_392 : vector<19x8x512xi32>
    %xor3A_394 = arith.xori %or3A_393, %add3A_386 : vector<19x8x512xi32>
    %add3A_395 = arith.addi %add3A_386, %xor3A_394 : vector<19x8x512xi32>
    %shift_left3A_396 = arith.constant 6 : i32
    %shift_left3A_397 = vector.broadcast %shift_left3A_396 : i32 to vector<19x8x512xi32>
    %shift_left3A_398 = arith.shli %xor3A_394, %shift_left3A_397 : vector<19x8x512xi32>
    %shift_right_logical3A_399 = arith.constant 26 : i32
    %shift_right_logical3A_400 = vector.broadcast %shift_right_logical3A_399 : i32 to vector<19x8x512xi32>
    %shift_right_logical3A_401 = arith.shrui %xor3A_394, %shift_right_logical3A_400 : vector<19x8x512xi32>
    %or3A_402 = arith.ori %shift_left3A_398, %shift_right_logical3A_401 : vector<19x8x512xi32>
    %xor3A_403 = arith.xori %or3A_402, %add3A_395 : vector<19x8x512xi32>
    %add3A_404 = vector.broadcast %xor3A_180 : i32 to vector<19x8x512xi32>
    %add3A_405 = arith.addi %add3A_395, %add3A_404 : vector<19x8x512xi32>
    %add3A_406 = vector.broadcast %add3A_190 : i32 to vector<19x8x512xi32>
    %add3A_407 = arith.addi %xor3A_403, %add3A_406 : vector<19x8x512xi32>
    %xor3A_408 = arith.xori %add3A_405, %add3A_407 : vector<19x8x512xi32>
    %shift_right_logical3A_409 = arith.constant 9 : i32
    %shift_right_logical3A_410 = vector.broadcast %shift_right_logical3A_409 : i32 to vector<19x8x512xi32>
    %shift_right_logical3A_411 = arith.shrui %xor3A_408, %shift_right_logical3A_410 : vector<19x8x512xi32>
    %or3A_412 = arith.constant 1065353216 : i32
    %or3A_413 = vector.broadcast %or3A_412 : i32 to vector<19x8x512xi32>
    %or3A_414 = arith.ori %shift_right_logical3A_411, %or3A_413 : vector<19x8x512xi32>
    %bitcast_convert_type3A = tpu.bitcast %or3A_414 : vector<19x8x512xi32> -> vector<19x8x512xf32>
    %sub3A = arith.constant 1.000000e+00 : f32
    %sub3A_415 = vector.broadcast %sub3A : f32 to vector<19x8x512xf32>
    %sub3A_416 = arith.subf %bitcast_convert_type3A, %sub3A_415 : vector<19x8x512xf32>
    %log3A = math.log %sub3A_416 : vector<19x8x512xf32>
    %sub3A_417 = arith.constant 0.000000e+00 : f32
    %sub3A_418 = vector.broadcast %sub3A_417 : f32 to vector<19x8x512xf32>
    %sub3A_419 = arith.subf %sub3A_418, %log3A : vector<19x8x512xf32>
    %log3A_420 = math.log %sub3A_419 : vector<19x8x512xf32>
    %get3A_421 = arith.constant 0 : index
    %get3A_422 = arith.constant 0 : index
    %get3A_423 = arith.constant 0 : index
    %get3A_424 = vector.load %arg2[%get3A_421, %get3A_422, %get3A_423] : memref<19x8x512xf32, #tpu.memory_space<vmem>>, vector<19x8x512xf32>
    %sub3A_425 = arith.subf %log3A_420, %get3A_424 : vector<19x8x512xf32>
    %reduce_min3A = vector.shape_cast %sub3A_425 : vector<19x8x512xf32> to vector<1x19x8x512xf32>
    %reduce_min3A_426 = arith.constant dense<0x7F800000> : vector<1xf32>
    %reduce_min3A_427 = vector.multi_reduction <minimumf>, %reduce_min3A, %reduce_min3A_426 [1, 2, 3] : vector<1x19x8x512xf32> to vector<1xf32>
    %reduce_min3A_428 = vector.shape_cast %reduce_min3A_427 : vector<1xf32> to vector<1x1x1x1xf32>
    %reduce_min3A_429 = vector.extract %reduce_min3A_428[0, 0, 0, 0] : f32 from vector<1x1x1x1xf32>
    %eq3A = vector.broadcast %reduce_min3A_429 : f32 to vector<19x8x512xf32>
    %eq3A_430 = arith.cmpf oeq, %sub3A_425, %eq3A : vector<19x8x512xf32>
    %jit3A = arith.constant 1073741824 : i32
    %broadcast_in_dim3A_431 = vector.broadcast %jit3A : i32 to vector<19x8x512xi32>
    %select_n3A = arith.select %eq3A_430, %add3A_202, %broadcast_in_dim3A_431 : vector<19x8x512xi1>, vector<19x8x512xi32>
    %reduce_min3A_432 = vector.shape_cast %select_n3A : vector<19x8x512xi32> to vector<1x19x8x512xi32>
    %reduce_min3A_433 = arith.constant dense<2147483647> : vector<1xi32>
    %reduce_min3A_434 = vector.multi_reduction <minsi>, %reduce_min3A_432, %reduce_min3A_433 [1, 2, 3] : vector<1x19x8x512xi32> to vector<1xi32>
    %reduce_min3A_435 = vector.shape_cast %reduce_min3A_434 : vector<1xi32> to vector<1x1x1x1xi32>
    %reduce_min3A_436 = vector.extract %reduce_min3A_435[0, 0, 0, 0] : i32 from vector<1x1x1x1xi32>
    %iota3A_437 = tpu.iota {dimensions = array<i32: 1>} : vector<1x128xi32>
    %eq3A_438 = arith.constant 0 : i32
    %eq3A_439 = vector.broadcast %eq3A_438 : i32 to vector<1x128xi32>
    %eq3A_440 = arith.cmpi eq, %iota3A_437, %eq3A_439 : vector<1x128xi32>
    %eq3A_441 = arith.constant 1 : i32
    %eq3A_442 = vector.broadcast %eq3A_441 : i32 to vector<1x128xi32>
    %eq3A_443 = arith.cmpi eq, %iota3A_437, %eq3A_442 : vector<1x128xi32>
    %convert_element_type3A = arith.sitofp %reduce_min3A_436 : i32 to f32
    %jit3A_444 = arith.constant 0.000000e+00 : f32
    %broadcast_in_dim3A_445 = vector.broadcast %convert_element_type3A : f32 to vector<1x128xf32>
    %broadcast_in_dim3A_446 = vector.broadcast %jit3A_444 : f32 to vector<1x128xf32>
    %select_n3A_447 = arith.select %eq3A_443, %broadcast_in_dim3A_445, %broadcast_in_dim3A_446 : vector<1x128xi1>, vector<1x128xf32>
    %broadcast_in_dim3A_448 = vector.broadcast %reduce_min3A_429 : f32 to vector<1x128xf32>
    %select_n3A_449 = arith.select %eq3A_440, %broadcast_in_dim3A_448, %select_n3A_447 : vector<1x128xi1>, vector<1x128xf32>
    %swap3A = arith.constant 0 : index
    %swap3A_450 = arith.constant 0 : index
    %swap3A_451 = vector.load %arg3[%swap3A, %swap3A_450] : memref<1x128xf32, #tpu.memory_space<vmem>>, vector<1x128xf32>
    tpu.vector_store %arg3[%swap3A, %swap3A_450], %select_n3A_449 {strides = array<i32>} : memref<1x128xf32, #tpu.memory_space<vmem>>, vector<1x128xf32>,
    return
  }
  func.func @transform_0(%arg0: i32) -> (i32, i32) {
    %c0_i32 = arith.constant 0 : i32
    %c0_i32_0 = arith.constant 0 : i32
    %c0_i32_1 = arith.constant 0 : i32
    return %c0_i32, %c0_i32_0 : i32, i32
  }
  func.func @transform_1(%arg0: i32) -> (i32, i32, i32) {
    %c0_i32 = arith.constant 0 : i32
    %c0_i32_0 = arith.constant 0 : i32
    %c0_i32_1 = arith.constant 0 : i32
    %c0_i32_2 = arith.constant 0 : i32
    return %c0_i32, %c0_i32_0, %c0_i32_1 : i32, i32, i32
  }
  func.func @transform_2(%arg0: i32) -> (i32, i32) {
    %c0_i32 = arith.constant 0 : i32
    %c0_i32_0 = arith.constant 0 : i32
    %c0_i32_1 = arith.constant 0 : i32
    return %c0_i32, %c0_i32_0 : i32, i32
  }
}

module attributes {stable_mosaic.version = 14 : i64} {
  func.func @_emit_kernel(%arg0: memref<1024xf32, #tpu.memory_space<vmem>>, %arg1: memref<1x128xf32, #tpu.memory_space<vmem>>, %arg2: memref<1x100000xf32, #tpu.memory_space<vmem>>) attributes {dimension_semantics = [], scalar_prefetch = 0 : i64, scratch_operands = 0 : i64, tpu.core_type = #tpu.core_type<tc>} {
    %get3A = arith.constant 0 : index
    %get3A_0 = vector.load %arg0[%get3A] : memref<1024xf32, #tpu.memory_space<vmem>>, vector<512xf32>
    %get3A_1 = arith.constant 512 : index
    %get3A_2 = vector.load %arg0[%get3A_1] : memref<1024xf32, #tpu.memory_space<vmem>>, vector<512xf32>
    %reduce_min3A = vector.shape_cast %get3A_0 : vector<512xf32> to vector<1x512xf32>
    %reduce_min3A_3 = arith.constant dense<0x7F800000> : vector<1xf32>
    %reduce_min3A_4 = vector.multi_reduction <minimumf>, %reduce_min3A, %reduce_min3A_3 [1] : vector<1x512xf32> to vector<1xf32>
    %reduce_min3A_5 = vector.shape_cast %reduce_min3A_4 : vector<1xf32> to vector<1x1xf32>
    %reduce_min3A_6 = vector.extract %reduce_min3A_5[0, 0] : f32 from vector<1x1xf32>
    %eq3A = vector.broadcast %reduce_min3A_6 : f32 to vector<512xf32>
    %eq3A_7 = arith.cmpf oeq, %get3A_0, %eq3A : vector<512xf32>
    %jit3A = arith.constant 3.000000e+38 : f32
    %broadcast_in_dim3A = vector.broadcast %jit3A : f32 to vector<512xf32>
    %select_n3A = arith.select %eq3A_7, %get3A_2, %broadcast_in_dim3A : vector<512xi1>, vector<512xf32>
    %reduce_min3A_8 = vector.shape_cast %select_n3A : vector<512xf32> to vector<1x512xf32>
    %reduce_min3A_9 = arith.constant dense<0x7F800000> : vector<1xf32>
    %reduce_min3A_10 = vector.multi_reduction <minimumf>, %reduce_min3A_8, %reduce_min3A_9 [1] : vector<1x512xf32> to vector<1xf32>
    %reduce_min3A_11 = vector.shape_cast %reduce_min3A_10 : vector<1xf32> to vector<1x1xf32>
    %reduce_min3A_12 = vector.extract %reduce_min3A_11[0, 0] : f32 from vector<1x1xf32>
    %convert_element_type3A = arith.fptosi %reduce_min3A_12 : f32 to i32
    %get3A_13 = arith.constant 0 : index
    %get3A_14 = arith.constant 0 : index
    %get3A_15 = vector.load %arg1[%get3A_13, %get3A_14] : memref<1x128xf32, #tpu.memory_space<vmem>>, vector<1x1xf32>
    %get3A_16 = vector.extract %get3A_15[0, 0] : f32 from vector<1x1xf32>
    %get3A_17 = arith.constant 0 : index
    %get3A_18 = arith.constant 1 : index
    %get3A_19 = vector.load %arg1[%get3A_17, %get3A_18] : memref<1x128xf32, #tpu.memory_space<vmem>>, vector<1x1xf32>
    %get3A_20 = vector.extract %get3A_19[0, 0] : f32 from vector<1x1xf32>
    %convert_element_type3A_21 = arith.fptosi %get3A_20 : f32 to i32
    %lt3A = arith.cmpf olt, %get3A_16, %reduce_min3A_6 : f32
    %select_n3A_22 = arith.select %lt3A, %convert_element_type3A_21, %convert_element_type3A : i32
    %iota3A = tpu.iota {dimensions = array<i32: 1>} : vector<1x100000xi32>
    %eq3A_23 = vector.broadcast %select_n3A_22 : i32 to vector<1x100000xi32>
    %eq3A_24 = arith.cmpi eq, %iota3A, %eq3A_23 : vector<1x100000xi32>
    %jit3A_25 = arith.constant 1.000000e+05 : f32
    %jit3A_26 = arith.constant -1.000000e+05 : f32
    %broadcast_in_dim3A_27 = vector.broadcast %jit3A_25 : f32 to vector<1x100000xf32>
    %broadcast_in_dim3A_28 = vector.broadcast %jit3A_26 : f32 to vector<1x100000xf32>
    %select_n3A_29 = arith.select %eq3A_24, %broadcast_in_dim3A_27, %broadcast_in_dim3A_28 : vector<1x100000xi1>, vector<1x100000xf32>
    %swap3A = arith.constant 0 : index
    %swap3A_30 = arith.constant 0 : index
    %swap3A_31 = vector.load %arg2[%swap3A, %swap3A_30] : memref<1x100000xf32, #tpu.memory_space<vmem>>, vector<1x100000xf32>
    tpu.vector_store %arg2[%swap3A, %swap3A_30], %select_n3A_29 {strides = array<i32>} : memref<1x100000xf32, #tpu.memory_space<vmem>>, vector<1x100000xf32>,
    return
  }
}

</mosaic_0001>

<sc_bundles>
// kernel: kernel.5.cloned.1.call-start
scs
__scs_entry_jumppad:
0x0: {  	(pc) =	sbr.rel $0x88, $3  }
0x1: {  	(tag) =	ssettag $0x0;
	lr =	simm.s32 $0x1  }
0x2: {  	[smem:$0x3F9F] =	sst lr;
	_ =	strace $0xD0000000  }
0x3: {  	_ = 	snop  }
0x4: {  	_ = 	snop  }
0x5: {  	_ = 	snop  }
0x6: {  	_ = 	snop  }
0x7: {  	_ = 	snop  }
__scs_overlays_trampoline_lowered:
0x8: {  	[smem:$0x3FAE] =	sst s0  }
0x9: {  	[smem:$0x3FAF] =	sst s1  }
0xa: {  	[smem:$0x3FB0] =	sst s2  }
0xb: {  	[smem:$0x3FB1] =	sst s3  }
0xc: {  	[smem:$0x3FB2] =	sst s4  }
0xd: {  	[smem:$0x3FB3] =	sst s5  }
0xe: {  	[smem:$0x3FB4] =	sst s6  }
0xf: {  	[smem:$0x3FB5] =	sst s7  }
0x10: {  	[smem:$0x3FB6] =	sst s8  }
0x11: {  	[smem:$0x3FB7] =	sst s9;
	s0 =	simm.s32 @!p0 $0x0  }
0x12: {  	s1 =	sld [smem:$0x3F9D];
	s0 =	simm.s32 @p0 $0x1  }
0x13: {  	[smem:$0x3FB8] =	sst s0;
	s0 =	simm.s32 @!p1 $0x0  }
0x14: {  	s2 =	sld [smem:$0x3F9C];
	s0 =	simm.s32 @p1 $0x1  }
0x15: {  	[smem:$0x3FB9] =	sst s0;
	s0 =	simm.s32 @!p2 $0x0  }
0x16: {  	s3 =	sld [smem:$0x3FDB];
	s0 =	simm.s32 @p2 $0x1  }
0x17: {  	s4 =	simm.s32 $0x1BF5;
	[smem:$0x3FBB] =	sst s0  }
0x18: {  	s0 =	sld [smem:$0x3F9E];
	_ =	swait.ge [sflag:s4], $0x0  }
0x19: {  	s7 =	sld [smem:$0x3F9F]  }
0x1a: {  	s8 =	sadd.s32 $0xFFFFE003, lr  }
0x1b: {  	s9 =	sadd.s32 $0xFFFFFEF7, lr;
	s5 =	simm.s32 $0xFFFFFFFF;
	p2 =	slt.u32 s8, $0xFFFFF086  }
0x1c: {  	p1 =	slt.u32 s9, $0xF7A;
	s5 =	simm.s32 @!p2 $0x0  }
0x1d: {  	s5 =	simm.s32 @p1 $0x1;
	p0 =	seq.s32 s7, s2  }
0x1e: {  	s7 =	smul.u32 @!p0 $0xF7A, s2;
	p2 =	seq.s32 @!p0 s5, $0x0  }
0x1f: {  	s9 =	smul.u32 $0xF7A, s1;
	s8 =	simm.s32 @!p0 $0x1BF5;
	p2 =	por !p2, p0  }
0x20: {  	[sflag:s8] =	ssyncset.s32 @!p0 $0xFFFFF086;
	s6 =	sadd.s32 @!p0 s3, s7;
	s7 =	simm.s32 @!p0 $0x108  }
0x21: {  	s3 =	sadd.s32 s3, s9;
	s6 =	sadd.s32 @!p0 $0x88, s6;
	s7 =	simm.s32 @p2 $0x1082  }
0x22: {  	[simem:s7], [sflag:s8] =	dma.local @!p0 [hbm:s6], $0xF7A  }
0x23: {  	s9 =	sor.u32 $0xD0000000, s2;
	s6 =	simm.s32 $0x108;
	_ =	swait.ge @!p0 [sflag:s8], $0x0  }
0x24: {  	s3 =	sadd.s32 $0x88, s3;
	s6 =	simm.s32 @!p1 $0x1082;
	[sflag:s4] =	ssyncset.s32 $0xFFFFF086  }
0x25: {  	[simem:s6], [sflag:s4] =	dma.local [hbm:s3], $0xF7A  }
0x26: {  	[smem:$0x3F9F] =	sst s1;
	(tag) =	ssettag s2;
	_ =	strace s9  }
0x27: {  	s1 =	sld [smem:$0x3FAF]  }
0x28: {  	s2 =	sld [smem:$0x3FB0]  }
0x29: {  	s4 =	sld [smem:$0x3FB2]  }
0x2a: {  	p0 =	seq.s32 s5, $0x0;
	s5 =	sld [smem:$0x3FB3]  }
0x2b: {  	s6 =	sld [smem:$0x3FB4]  }
0x2c: {  	s7 =	sld [smem:$0x3FB5]  }
0x2d: {  	s3 =	simm.s32 $0x108;
	s8 =	sld [smem:$0x3FB6]  }
0x2e: {  	s3 =	simm.s32 @!p0 $0x1082;
	s9 =	sld [smem:$0x3FB7]  }
0x2f: {  	lr =	sadd.s32 s0, s3;
	s0 =	sld [smem:$0x3FAE]  }
0x30: {  	s3 =	sld [smem:$0x3FB1]  }
0x31: {  	[smem:$0x3FBA] =	sst s10  }
0x32: {  	s10 =	sld [smem:$0x3FB8];
	_ =	sdelay $0x3  }
0x33: {  	p0 =	seq.s32 s10, $0x1;
	s10 =	sld [smem:$0x3FBA];
	_ =	sdelay $0x3  }
0x34: {  	[smem:$0x3FBA] =	sst s10  }
0x35: {  	s10 =	sld [smem:$0x3FB9];
	_ =	sdelay $0x3  }
0x36: {  	p1 =	seq.s32 s10, $0x1;
	s10 =	sld [smem:$0x3FBA];
	_ =	sdelay $0x3  }
0x37: {  	[smem:$0x3FBA] =	sst s10  }
0x38: {  	s10 =	sld [smem:$0x3FBB]  }
0x39: {  	_ = 	snop;
	(pc) =	sbr.ind lr, $3  }
0x3a: {  	_ = 	snop  }
0x3b: {  	_ = 	snop  }
0x3c: {  	p2 =	seq.s32 s10, $0x1;
	s10 =	sld [smem:$0x3FBA]  }
0x3d: {  	_ =	shalt  }
0x3e: {  	_ =	shalt  }
0x3f: {  	_ =	shalt  }
0x40: {  	_ =	shalt  }
0x41: {  	_ =	shalt  }
0x42: {  	_ =	shalt  }
0x43: {  	_ =	shalt  }
0x44: {  	_ =	shalt  }
0x45: {  	_ =	shalt  }
0x46: {  	_ =	shalt  }
0x47: {  	_ =	shalt  }
0x48: {  	_ =	shalt  }
0x49: {  	_ =	shalt  }
0x4a: {  	_ =	shalt  }
0x4b: {  	_ =	shalt  }
0x4c: {  	_ =	shalt  }
0x4d: {  	_ =	shalt  }
0x4e: {  	_ =	shalt  }
0x4f: {  	_ =	shalt  }
0x50: {  	_ =	shalt  }
0x51: {  	_ =	shalt  }
0x52: {  	_ =	shalt  }
0x53: {  	_ =	shalt  }
0x54: {  	_ =	shalt  }
0x55: {  	_ =	shalt  }
0x56: {  	_ =	shalt  }
0x57: {  	_ =	shalt  }
0x58: {  	_ =	shalt  }
0x59: {  	_ =	shalt  }
0x5a: {  	_ =	shalt  }
0x5b: {  	_ =	shalt  }
0x5c: {  	_ =	shalt  }
0x5d: {  	_ =	shalt  }
0x5e: {  	_ =	shalt  }
0x5f: {  	_ =	shalt  }
0x60: {  	_ =	shalt  }
0x61: {  	_ =	shalt  }
0x62: {  	_ =	shalt  }
0x63: {  	_ =	shalt  }
0x64: {  	_ =	shalt  }
0x65: {  	_ =	shalt  }
0x66: {  	_ =	shalt  }
0x67: {  	_ =	shalt  }
0x68: {  	_ =	shalt  }
0x69: {  	_ =	shalt  }
0x6a: {  	_ =	shalt  }
0x6b: {  	_ =	shalt  }
0x6c: {  	_ =	shalt  }
0x6d: {  	_ =	shalt  }
0x6e: {  	_ =	shalt  }
0x6f: {  	_ =	shalt  }
0x70: {  	_ =	shalt  }
0x71: {  	_ =	shalt  }
0x72: {  	_ =	shalt  }
0x73: {  	_ =	shalt  }
0x74: {  	_ =	shalt  }
0x75: {  	_ =	shalt  }
0x76: {  	_ =	shalt  }
0x77: {  	_ =	shalt  }
0x78: {  	_ =	shalt  }
0x79: {  	_ =	shalt  }
0x7a: {  	_ =	shalt  }
0x7b: {  	_ =	shalt  }
0x7c: {  	_ =	shalt  }
0x7d: {  	_ =	shalt  }
0x7e: {  	_ =	shalt  }
0x7f: {  	_ =	shalt  }
0x80: {  	_ =	shalt  }
0x81: {  	_ =	shalt  }
0x82: {  	_ =	shalt  }
0x83: {  	_ =	shalt  }
0x84: {  	_ =	shalt  }
0x85: {  	_ =	shalt  }
0x86: {  	_ =	shalt  }
0x87: {  	_ =	shalt  }
.Lfunc_end0:
.L_simem_size_0:
called_computation_lowered:
.L_overlay_start_0:
0x88: {  	s2 =	sld [smem:$0x3FD9]  }
0x89: {  	s3 =	sld [smem:$0x3FFE];
	_ =	sdelay $0x1  }
0x8a: {  	s1 =	srdreg.scid  }
0x8b: {  	s0 =	sand.u32 $0x1, s1  }
0x8c: {  	s17 =	sshll.u32 s0, $0xA;
	s2 =	sadd.s32 s3, s2  }
0x8d: {  	s2 =	sadd.s32 s2, s17  }
0x8e: {  	[smem:$0x3FC6] =	sst s2  }
0x8f: {  	_ = 	snop  }
0x90: {  	s2 =	sld [smem:$0x3FC9]  }
0x91: {  	s18 =	sld [smem:$0x3FD0];
	(tm) =	ssettm $0x1  }
0x92: {  	s4 =	sld [smem:$0x3FFB];
	_ =	sdelay $0x3  }
0x93: {  	_ =	strace s4  }
0x94: {  	s4 =	sld [smem:$0x3FFC];
	_ =	sdelay $0x3  }
0x95: {  	_ =	strace s4  }
0x96: {  	s4 =	sld [smem:$0x3FFD];
	_ =	sdelay $0x3  }
0x97: {  	_ =	strace s4  }
0x98: {  	_ =	strace $0x8FFFFFFF  }
0x99: {  	s19 =	sld [smem:$0x3FDB];
	_ =	sdelay $0x1  }
0x9a: {  	s5 =	simm.s32 $_scs_section_size  }
0x9b: {  	s6 =	simm.s32 $_size__tile_overlayer_lowered;
	s7 =	simm.s32 $_tile_overlayer_lowered  }
0x9c: {  	s22 =	simm.s32 $0x1BFF;
	s21 =	sshll.u32 s7, $0x1;
	s4 =	sadd.s32 s5, s19  }
0x9d: {  	s8 =	simm.s32 $0x0;
	s20 =	sshll.u32 s6, $0x1;
	s6 =	sadd.s32 s21, s4  }
0x9e: {  	[timem:s8], [sflag:s22] =	dma.local [hbm:s6], s20  }
0x9f: {  	_ =	swait.ge [sflag:s22], s20  }
0xa0: {  	s5 =	ssub.s32 $0x0, s20;
	[sflag:s22] =	ssyncset.done $0x0  }
0xa1: {  	[sflag:s22] =	ssyncadd.s32 s5;
	_ =	sdelay $0x1  }
0xa2: {  	s23 =	simm.s32 $0x1B8B  }
0xa3: {  	_ =	swait.ge [sflag:s23], $0x1  }
0xa4: {  	[sflag:s23] =	ssyncset.done $0x0  }
0xa5: {  	s25 =	simm.s32 $0x1B8E;
	s24 =	sld [smem:$0x3FFE];
	[sflag:s23] =	ssyncadd.s32 $0xFFFFFFFF  }
0xa6: {  	s26 =	simm.s32 $execute0_lowered;
	[smem:$0x3FD2] =	sst s25  }
0xa7: {  	s6 =	sshll.u32 s26, $0x1;
	_ =	strace $0x80000046;
	[dreg:$0x1] =	wrdreg $0xFFFFFFFF  }
0xa8: {  	s28 =	simm.s32 $_size_execute0_lowered;
	s4 =	sadd.s32 s4, s6;
	[dreg:$0x0] =	wrdreg $0x0  }
0xa9: {  	s6 =	sshll.u32 s28, $0x1;
	[dreg:$0x2] =	wrdreg s4  }
0xaa: {  	[dreg:$0x3] =	wrdreg s6  }
0xab: {  	[dreg:$0x4] =	wrdreg $0xC0  }
0xac: {  	_ =	task [dreg:s8], $0x5FFFF  }
0xad: {  	[dreg:$0x1] =	wrdreg $0xFFFFFFFF  }
0xae: {  	[dreg:$0x0] =	wrdreg $0x60  }
0xaf: {  	[dreg:$0x2] =	wrdreg s2  }
0xb0: {  	[dreg:$0x3] =	wrdreg s18  }
0xb1: {  	[dreg:$0x4] =	wrdreg s24  }
0xb2: {  	[dreg:$0x5] =	wrdreg $0x9  }
0xb3: {  	_ =	task.clear_ibuf [dreg:s8], $0x6FFFF;
	_ =	strace $0x90000046  }
0xb4: {  	s29 =	simm.s32 $0x9;
	_ =	strace $0x80000048  }
0xb5: {  	_ =	swait.ge [sflag:s29], $0x1  }
0xb6: {  	[sflag:s29] =	ssyncadd.s32 $0xFFFFFFFF  }
0xb7: {  	_ =	strace $0x90000048  }
0xb8: {  	_ =	sfence  }
0xb9: {  	s30 =	sld [smem:$0x0];
	_ =	sdelay $0x2  }
0xba: {  	s31 =	sshll.u32 s1, $0xD;
	s1 =	sshrl.u32 s1, $0x2  }
0xbb: {  	s3 =	sand.u32 $0x4000, s31;
	s1 =	sadd.s32 s1, s30  }
0xbc: {  	s0 =	sor.u32 s3, s0;
	s1 =	sshll.u32 s1, $0x11  }
0xbd: {  	s0 =	sor.u32 s1, s0  }
0xbe: {  	s0 =	sadd.s32 $0x8F2B, s0  }
0xbf: {  	[sflag:s0] =	ssyncadd.remote.s32 $0x1  }
0xc0: {  	_ =	sfence.sel $0xFFFF  }
0xc1: {  	[dreg:$0x0] =	wrdreg $0xFFFFFFFF;
	(pc) =	sbr.abs _section_cstart, $3  }
0xc2: {  	[dreg:$0x1] =	wrdreg $0xFFFFFFFF  }
0xc3: {  	_ =	task.clear_ibuf [dreg:s8], $0x2FFFF;
	_ =	strace $0x9FFFFFFF  }
0xc4: {  	(tm) =	ssettm $0x7FFFFFFF  }
0xc5: {  	_ =	shalt  }
tec
execute0_lowered:
.L_overlay_start_1:
0x0: {  	(tag) =	ssettag $0x1  }
0x1: {  	s3 =	rddreg [dreg:$0x0]  }
0x2: {  	s4 =	rddreg [dreg:$0x1]  }
0x3: {  	s5 =	rddreg [dreg:$0x2]  }
0x4: {  	s0 =	rddreg [dreg:$0x3];
	s2 =	simm.s32 $0x0;
	s6 =	srdreg.scid  }
0x5: {  	s1 =	stileid.u32;
	s12 =	simm.s32 $0x320;
	s13 =	simm.s32 $0x0  }
0x6: {  	[smem:$0x7FF] =	sst s2;
	s6 =	sand.u32 $0x1, s6;
	s7 =	sshll.u32 s1, $0x1  }
0x7: {  	s10 =	smul.u32 $0x600, s1;
	s3 =	sadd.s32 $0xFE, s3;
	_ =	strace $0x80000047  }
0x8: {  	s7 =	sor.u32 s6, s7;
	s9 =	ssub.s32 $0x2, s6;
	s11 =	smul.u32 $0x300, s6  }
0x9: {  	s8 =	sshll.u32 s7, $0x1;
	s7 =	smul.u32 $0x300, s7;
	s29 =	sshrl.u32 s9, $0x1  }
0xa: {  	s8 =	sadd.s32 s8, s5;
	s9 =	ssub.s32 s9, s29;
	s31 =	sadd.s32 s11, s10  }
0xb: {  	s10 =	simm.s32 $0x10;
	s11 =	simm.s32 $0x310;
	s30 =	sshrl.u32 s7, $0x3  }
0xc: {  	s5 =	sadd.s32 $0x600, s8;
	s6 =	sadd.s32 $0x640, s8;
	s7 =	smax.u32 s9, $0x1  }
0xd: {  	vm0 =	vmmov $0xfff;
	v0 =	vlaneseq.u32;
	v1 =	vimm.s32 $0x0;
	s8 =	sor.u32 $0x10, s31;
	s9 =	simm.s32 $0x1;
	s4 =	sadd.s32 s4, s30  }
.LBB2_1:
0xe: {  	[tilespmem:s2], [sflag:$0x1] =	stream.linear.gather [hbm4b:s3+s2], $0x10, $0x38;
	[tilespmem:$0x330] =	vst v63  }
0xf: {  	_ =	swait.ge [sflag:s9], $0x10  }
0x10: {  	[sflag:s9] =	ssyncset.done $0x0  }
0x11: {  	[sflag:s9] =	ssyncadd.s32 $0xFFFFFFF0  }
0x12: {  	[tilespmem:s10], [sflag:$0x1] =	stream.linear.gather [hbm4b:s4+s2], $0x300, $0x38;
	[tilespmem:$0x330] =	vst v63  }
0x13: {  	_ =	swait.ge [sflag:s9], $0x300  }
0x14: {  	[sflag:s9] =	ssyncset.done $0x0  }
0x15: {  	[sflag:s9] =	ssyncadd.s32 $0xFFFFFD00  }
0x16: {  	v2 =	vld [tilespmem:$0x0];
	_ =	sdelay $0x4  }
0x17: {  	v2 =	vsel vm0, $0x0, v2  }
0x18: {  	(xrf0) =	vadd.scan.msk.s32 $0xffff, v2;
	_ =	sdelay $0x5  }
0x19: {  	v2, _, _ =	vpop (xrf0)  }
0x1a: {  	v2 =	vadd.s32 $0x1022172D, v2  }
0x1b: {  	v2 =	vbroadcast v2, $0xF;
	_ =	sdelay $0x1  }
0x1c: {  	v3 =	vshrl.u32 v2, $0x13;
	v4 =	vshll.u32 v2, $0xD  }
0x1d: {  	v2 =	vadd.s32 $0x6D3E048F, v2;
	v3 =	vor.u32 v3, v4  }
0x1e: {  	v3 =	vxor.u32 v2, v3  }
0x1f: {  	v4 =	vshrl.u32 v3, $0x11;
	v5 =	vshll.u32 v3, $0xF  }
0x20: {  	v2 =	vadd.s32 v2, v3;
	v3 =	vor.u32 v4, v5  }
0x21: {  	v3 =	vxor.u32 v2, v3  }
0x22: {  	v4 =	vshrl.u32 v3, $0x6;
	v5 =	vshll.u32 v3, $0x1A  }
0x23: {  	v2 =	vadd.s32 v2, v3;
	v3 =	vor.u32 v4, v5  }
0x24: {  	v3 =	vxor.u32 v2, v3  }
0x25: {  	v4 =	vshrl.u32 v3, $0x1A;
	v5 =	vshll.u32 v3, $0x6  }
0x26: {  	v2 =	vadd.s32 v2, v3;
	v3 =	vor.u32 v4, v5  }
0x27: {  	v3 =	vxor.u32 v2, v3  }
0x28: {  	v3 =	vadd.s32 $0x66CD0879, v3  }
0x29: {  	v2 =	vadd.s32 v3, v2;
	v4 =	vshrl.u32 v3, $0xF;
	v3 =	vshll.u32 v3, $0x11  }
0x2a: {  	v2 =	vadd.s32 $0x1022172D, v2;
	v3 =	vor.u32 v4, v3  }
0x2b: {  	v3 =	vxor.u32 v2, v3  }
0x2c: {  	v4 =	vshrl.u32 v3, $0x3;
	v5 =	vshll.u32 v3, $0x1D  }
0x2d: {  	v2 =	vadd.s32 v2, v3;
	v3 =	vor.u32 v4, v5  }
0x2e: {  	v3 =	vxor.u32 v2, v3  }
0x2f: {  	v4 =	vshrl.u32 v3, $0x10;
	v5 =	vshll.u32 v3, $0x10  }
0x30: {  	v2 =	vadd.s32 v2, v3;
	v3 =	vor.u32 v4, v5  }
0x31: {  	v3 =	vxor.u32 v2, v3  }
0x32: {  	v4 =	vshrl.u32 v3, $0x8;
	v5 =	vshll.u32 v3, $0x18  }
0x33: {  	v2 =	vadd.s32 v2, v3;
	v3 =	vor.u32 v4, v5  }
0x34: {  	v3 =	vxor.u32 v2, v3  }
0x35: {  	v3 =	vadd.s32 $0x6D3E0491, v3  }
0x36: {  	v2 =	vadd.s32 v3, v2;
	v4 =	vshrl.u32 v3, $0x13;
	v3 =	vshll.u32 v3, $0xD  }
0x37: {  	v2 =	vadd.s32 $0x66CD0878, v2;
	v3 =	vor.u32 v4, v3  }
0x38: {  	v3 =	vxor.u32 v2, v3  }
0x39: {  	v4 =	vshrl.u32 v3, $0x11;
	v5 =	vshll.u32 v3, $0xF  }
0x3a: {  	v2 =	vadd.s32 v2, v3;
	v3 =	vor.u32 v4, v5  }
0x3b: {  	v3 =	vxor.u32 v2, v3  }
0x3c: {  	v4 =	vshrl.u32 v3, $0x6;
	v5 =	vshll.u32 v3, $0x1A  }
0x3d: {  	v2 =	vadd.s32 v2, v3;
	v3 =	vor.u32 v4, v5  }
0x3e: {  	v3 =	vxor.u32 v2, v3  }
0x3f: {  	v4 =	vshrl.u32 v3, $0x1A;
	v5 =	vshll.u32 v3, $0x6  }
0x40: {  	v2 =	vadd.s32 v2, v3;
	v3 =	vor.u32 v4, v5  }
0x41: {  	v3 =	vxor.u32 v2, v3  }
0x42: {  	v3 =	vadd.s32 $0x10221730, v3  }
0x43: {  	v2 =	vadd.s32 v3, v2;
	v4 =	vshrl.u32 v3, $0xF;
	v3 =	vshll.u32 v3, $0x11  }
0x44: {  	v2 =	vadd.s32 $0x6D3E048F, v2;
	v3 =	vor.u32 v4, v3  }
0x45: {  	v3 =	vxor.u32 v2, v3  }
0x46: {  	v4 =	vshrl.u32 v3, $0x3;
	v5 =	vshll.u32 v3, $0x1D  }
0x47: {  	v2 =	vadd.s32 v2, v3;
	v3 =	vor.u32 v4, v5  }
0x48: {  	v3 =	vxor.u32 v2, v3  }
0x49: {  	v4 =	vshrl.u32 v3, $0x10;
	v5 =	vshll.u32 v3, $0x10  }
0x4a: {  	v2 =	vadd.s32 v2, v3;
	v3 =	vor.u32 v4, v5  }
0x4b: {  	v3 =	vxor.u32 v2, v3  }
0x4c: {  	v4 =	vshrl.u32 v3, $0x8;
	v5 =	vshll.u32 v3, $0x18  }
0x4d: {  	v2 =	vadd.s32 v2, v3;
	v3 =	vor.u32 v4, v5  }
0x4e: {  	v3 =	vxor.u32 v2, v3  }
0x4f: {  	v3 =	vadd.s32 $0x66CD087C, v3  }
0x50: {  	v2 =	vadd.s32 v3, v2;
	v4 =	vshrl.u32 v3, $0x13;
	v3 =	vshll.u32 v3, $0xD  }
0x51: {  	v2 =	vadd.s32 $0x1022172D, v2;
	v3 =	vor.u32 v4, v3  }
0x52: {  	v3 =	vxor.u32 v2, v3  }
0x53: {  	v4 =	vshrl.u32 v3, $0x11;
	v5 =	vshll.u32 v3, $0xF  }
0x54: {  	v2 =	vadd.s32 v2, v3;
	v3 =	vor.u32 v4, v5  }
0x55: {  	v3 =	vxor.u32 v2, v3  }
0x56: {  	v4 =	vshrl.u32 v3, $0x6;
	v5 =	vshll.u32 v3, $0x1A  }
0x57: {  	v2 =	vadd.s32 v2, v3;
	v3 =	vor.u32 v4, v5  }
0x58: {  	v3 =	vxor.u32 v2, v3  }
0x59: {  	v4 =	vshrl.u32 v3, $0x1A;
	v5 =	vshll.u32 v3, $0x6  }
0x5a: {  	v6 =	vadd.s32 v2, v3;
	v2 =	vor.u32 v4, v5  }
0x5b: {  	s14 =	sadd.s32 $0xFFFFFFF0, s8;
	v8 =	vadd.s32 $0x66CD0878, v6;
	v3 =	vxor.u32 v6, v2  }
0x5c: {  	v5 =	vadd.s32 $0x6D3E0494, v3;
	v9 =	vadd.s32 $0x6D3E0497, v3;
	v3 =	vor.u32 s14, v0  }
0x5d: {  	v11 =	vadd.s32 $0x66CD087A, v6;
	v2 =	vxor.u32 v5, v8;
	v14 =	vadd.s32 v5, v3  }
0x5e: {  	v4 =	vxor.u32 $0x1BD11BDA, v2;
	v2 =	vor.u32 s8, v0;
	v15 =	vshrl.u32 v14, $0x13  }
0x5f: {  	v16 =	vshll.u32 v14, $0xD;
	v14 =	vadd.s32 v8, v14;
	v7 =	vadd.s32 v5, v2  }
0x60: {  	v10 =	vadd.s32 v8, v7;
	v13 =	vshrl.u32 v7, $0x13;
	v7 =	vshll.u32 v7, $0xD  }
0x61: {  	v12 =	vadd.s32 $0x1, v4;
	v15 =	vor.u32 v15, v16;
	v13 =	vor.u32 v13, v7  }
0x62: {  	v15 =	vxor.u32 v14, v15;
	v7 =	vadd.s32 $0x4, v4;
	v13 =	vxor.u32 v10, v13  }
0x63: {  	v18 =	vshrl.u32 v15, $0x11;
	v16 =	vshrl.u32 v13, $0x11;
	v17 =	vshll.u32 v13, $0xF  }
0x64: {  	v10 =	vadd.s32 v10, v13;
	v13 =	vor.u32 v16, v17;
	v16 =	vshll.u32 v15, $0xF  }
0x65: {  	v14 =	vadd.s32 v14, v15;
	v13 =	vxor.u32 v10, v13;
	v15 =	vor.u32 v18, v16  }
0x66: {  	v15 =	vxor.u32 v14, v15;
	v16 =	vshrl.u32 v13, $0x6;
	v17 =	vshll.u32 v13, $0x1A  }
0x67: {  	v10 =	vadd.s32 v10, v13;
	v13 =	vshrl.u32 v15, $0x6;
	v16 =	vor.u32 v16, v17  }
0x68: {  	v17 =	vshll.u32 v15, $0x1A;
	v14 =	vadd.s32 v14, v15;
	v15 =	vxor.u32 v10, v16  }
0x69: {  	v13 =	vor.u32 v13, v17;
	v10 =	vadd.s32 v10, v15;
	v16 =	vshrl.u32 v15, $0x1A  }
0x6a: {  	v15 =	vshll.u32 v15, $0x6;
	v13 =	vxor.u32 v14, v13;
	v17 =	vadd.s32 v5, v10  }
0x6b: {  	v18 =	vshrl.u32 v13, $0x1A;
	v15 =	vor.u32 v16, v15;
	v16 =	vshll.u32 v13, $0x6  }
0x6c: {  	v13 =	vadd.s32 v14, v13;
	v14 =	vor.u32 v18, v16;
	v10 =	vxor.u32 v10, v15  }
0x6d: {  	v15 =	vadd.s32 v5, v13;
	v10 =	vadd.s32 v12, v10;
	v13 =	vxor.u32 v13, v14  }
0x6e: {  	v14 =	vshrl.u32 v10, $0xF;
	v16 =	vshll.u32 v10, $0x11;
	v13 =	vadd.s32 v12, v13  }
0x6f: {  	v10 =	vadd.s32 v10, v17;
	v18 =	vshrl.u32 v13, $0xF;
	v14 =	vor.u32 v14, v16  }
0x70: {  	v16 =	vshll.u32 v13, $0x11;
	v13 =	vadd.s32 v13, v15;
	v14 =	vxor.u32 v10, v14  }
0x71: {  	v15 =	vor.u32 v18, v16;
	v16 =	vshrl.u32 v14, $0x3;
	v17 =	vshll.u32 v14, $0x1D  }
0x72: {  	v10 =	vadd.s32 v10, v14;
	v14 =	vxor.u32 v13, v15;
	v15 =	vor.u32 v16, v17  }
0x73: {  	v16 =	vshrl.u32 v14, $0x3;
	v17 =	vshll.u32 v14, $0x1D;
	v15 =	vxor.u32 v10, v15  }
0x74: {  	v13 =	vadd.s32 v13, v14;
	v14 =	vor.u32 v16, v17;
	v10 =	vadd.s32 v10, v15  }
0x75: {  	v16 =	vshrl.u32 v15, $0x10;
	v14 =	vxor.u32 v13, v14;
	v15 =	vshll.u32 v15, $0x10  }
0x76: {  	v17 =	vshrl.u32 v14, $0x10;
	v18 =	vshll.u32 v14, $0x10;
	v15 =	vor.u32 v16, v15  }
0x77: {  	v13 =	vadd.s32 v13, v14;
	v14 =	vor.u32 v17, v18;
	v15 =	vxor.u32 v10, v15  }
0x78: {  	v10 =	vadd.s32 v10, v15;
	v16 =	vshrl.u32 v15, $0x8;
	v15 =	vshll.u32 v15, $0x18  }
0x79: {  	v14 =	vxor.u32 v13, v14;
	v17 =	vadd.s32 v4, v10;
	v15 =	vor.u32 v16, v15  }
0x7a: {  	v16 =	vshrl.u32 v14, $0x8;
	v18 =	vshll.u32 v14, $0x18;
	v10 =	vxor.u32 v10, v15  }
0x7b: {  	v13 =	vadd.s32 v13, v14;
	v14 =	vor.u32 v16, v18;
	v10 =	vadd.s32 v11, v10  }
0x7c: {  	v15 =	vadd.s32 v4, v13;
	v13 =	vxor.u32 v13, v14;
	v14 =	vadd.s32 v10, v17  }
0x7d: {  	v16 =	vshrl.u32 v10, $0x13;
	v10 =	vshll.u32 v10, $0xD;
	v13 =	vadd.s32 v11, v13  }
0x7e: {  	v10 =	vor.u32 v16, v10;
	v16 =	vshrl.u32 v13, $0x13;
	v17 =	vshll.u32 v13, $0xD  }
0x7f: {  	v13 =	vadd.s32 v13, v15;
	v10 =	vxor.u32 v14, v10;
	v15 =	vor.u32 v16, v17  }
0x80: {  	v15 =	vxor.u32 v13, v15;
	v16 =	vshrl.u32 v10, $0x11;
	v17 =	vshll.u32 v10, $0xF  }
0x81: {  	v10 =	vadd.s32 v14, v10;
	v14 =	vshrl.u32 v15, $0x11;
	v16 =	vor.u32 v16, v17  }
0x82: {  	v17 =	vshll.u32 v15, $0xF;
	v13 =	vadd.s32 v13, v15;
	v15 =	vxor.u32 v10, v16  }
0x83: {  	v14 =	vor.u32 v14, v17;
	v16 =	vshrl.u32 v15, $0x6;
	v17 =	vshll.u32 v15, $0x1A  }
0x84: {  	v14 =	vxor.u32 v13, v14;
	v10 =	vadd.s32 v10, v15;
	v15 =	vor.u32 v16, v17  }
0x85: {  	v16 =	vshrl.u32 v14, $0x6;
	v17 =	vshll.u32 v14, $0x1A;
	v15 =	vxor.u32 v10, v15  }
0x86: {  	v13 =	vadd.s32 v13, v14;
	v14 =	vor.u32 v16, v17;
	v10 =	vadd.s32 v10, v15  }
0x87: {  	v16 =	vshrl.u32 v15, $0x1A;
	v15 =	vshll.u32 v15, $0x6;
	v14 =	vxor.u32 v13, v14  }
0x88: {  	v17 =	vshrl.u32 v14, $0x1A;
	v15 =	vor.u32 v16, v15;
	v16 =	vshll.u32 v14, $0x6  }
0x89: {  	v13 =	vadd.s32 v13, v14;
	v14 =	vor.u32 v17, v16;
	v15 =	vxor.u32 v10, v15  }
0x8a: {  	v10 =	vadd.s32 v8, v10;
	v15 =	vadd.s32 v9, v15;
	v14 =	vxor.u32 v13, v14  }
0x8b: {  	v13 =	vadd.s32 v8, v13;
	v16 =	vshrl.u32 v15, $0xF;
	v17 =	vshll.u32 v15, $0x11  }
0x8c: {  	v14 =	vadd.s32 v9, v14;
	v10 =	vadd.s32 v15, v10;
	v15 =	vor.u32 v16, v17  }
0x8d: {  	v16 =	vshrl.u32 v14, $0xF;
	v17 =	vshll.u32 v14, $0x11;
	v15 =	vxor.u32 v10, v15  }
0x8e: {  	v13 =	vadd.s32 v14, v13;
	v14 =	vor.u32 v16, v17;
	v10 =	vadd.s32 v10, v15  }
0x8f: {  	v14 =	vxor.u32 v13, v14;
	v16 =	vshrl.u32 v15, $0x3;
	v15 =	vshll.u32 v15, $0x1D  }
0x90: {  	v17 =	vshrl.u32 v14, $0x3;
	v18 =	vshll.u32 v14, $0x1D;
	v15 =	vor.u32 v16, v15  }
0x91: {  	v13 =	vadd.s32 v13, v14;
	v15 =	vxor.u32 v10, v15;
	v14 =	vor.u32 v17, v18  }
0x92: {  	v16 =	vshrl.u32 v15, $0x10;
	v14 =	vxor.u32 v13, v14;
	v17 =	vshll.u32 v15, $0x10  }
0x93: {  	v10 =	vadd.s32 v10, v15;
	v15 =	vshrl.u32 v14, $0x10;
	v16 =	vor.u32 v16, v17  }
0x94: {  	v17 =	vshll.u32 v14, $0x10;
	v13 =	vadd.s32 v13, v14;
	v14 =	vxor.u32 v10, v16  }
0x95: {  	v15 =	vor.u32 v15, v17;
	v16 =	vshrl.u32 v14, $0x8;
	v17 =	vshll.u32 v14, $0x18  }
0x96: {  	v10 =	vadd.s32 v10, v14;
	v14 =	vxor.u32 v13, v15;
	v15 =	vor.u32 v16, v17  }
0x97: {  	v16 =	vadd.s32 v5, v10;
	v17 =	vshrl.u32 v14, $0x8;
	v18 =	vshll.u32 v14, $0x18  }
0x98: {  	v13 =	vadd.s32 v13, v14;
	v10 =	vxor.u32 v10, v15;
	v14 =	vor.u32 v17, v18  }
0x99: {  	v10 =	vadd.s32 v7, v10;
	v14 =	vxor.u32 v13, v14;
	v13 =	vadd.s32 v5, v13  }
0x9a: {  	v15 =	vadd.s32 v10, v16;
	v14 =	vadd.s32 v7, v14;
	v16 =	vshrl.u32 v10, $0x13  }
0x9b: {  	v10 =	vshll.u32 v10, $0xD;
	v17 =	vshrl.u32 v14, $0x13;
	v18 =	vshll.u32 v14, $0xD  }
0x9c: {  	v10 =	vor.u32 v16, v10;
	v13 =	vadd.s32 v14, v13;
	v14 =	vor.u32 v17, v18  }
0x9d: {  	v10 =	vxor.u32 v15, v10;
	v14 =	vxor.u32 v13, v14  }
0x9e: {  	v16 =	vshrl.u32 v10, $0x11;
	v17 =	vshrl.u32 v14, $0x11;
	v18 =	vshll.u32 v14, $0xF  }
0x9f: {  	v19 =	vshll.u32 v10, $0xF;
	v13 =	vadd.s32 v13, v14;
	v14 =	vor.u32 v17, v18  }
0xa0: {  	v10 =	vadd.s32 v15, v10;
	v15 =	vor.u32 v16, v19;
	v14 =	vxor.u32 v13, v14  }
0xa1: {  	v15 =	vxor.u32 v10, v15;
	v16 =	vshrl.u32 v14, $0x6;
	v17 =	vshll.u32 v14, $0x1A  }
0xa2: {  	v18 =	vshrl.u32 v15, $0x6;
	v13 =	vadd.s32 v13, v14;
	v14 =	vor.u32 v16, v17  }
0xa3: {  	v10 =	vadd.s32 v10, v15;
	v16 =	vshll.u32 v15, $0x1A;
	v14 =	vxor.u32 v13, v14  }
0xa4: {  	v15 =	vor.u32 v18, v16;
	v16 =	vshrl.u32 v14, $0x1A;
	v17 =	vshll.u32 v14, $0x6  }
0xa5: {  	v18 =	vxor.u32 v10, v15;
	v13 =	vadd.s32 v13, v14;
	v15 =	vadd.s32 $0x66CD087D, v6  }
0xa6: {  	v14 =	vor.u32 v16, v17;
	v16 =	vshll.u32 v18, $0x6;
	v10 =	vadd.s32 v10, v18  }
0xa7: {  	v6 =	vxor.u32 v13, v14;
	v14 =	vshrl.u32 v18, $0x1A;
	v13 =	vadd.s32 v4, v13  }
0xa8: {  	v6 =	vadd.s32 v15, v6;
	v14 =	vor.u32 v14, v16;
	v16 =	vadd.s32 v4, v10  }
0xa9: {  	s16 =	sadd.s32 $0x20, s8;
	v13 =	vxor.u32 v13, v6;
	v6 =	vimm.f32 $3.000000010e+38;
	v14 =	vxor.u32 v10, v14  }
0xaa: {  	v10 =	vor.u32 s16, v0;
	v13 =	vshrl.u32 v13, $0x9;
	v14 =	vadd.s32 v15, v14  }
0xab: {  	v17 =	vadd.s32 v5, v10;
	v13 =	vor.u32 $0x3F800000, v13;
	v14 =	vxor.u32 v16, v14  }
0xac: {  	v18 =	vadd.s32 v8, v17;
	v16 =	vadd.f32 $-1.000000000e+00, v13;
	v14 =	vshrl.u32 v14, $0x9  }
0xad: {  	s31 =	sadd.s32 $0xFFFFFFF0, s16;
	v19 =	vshrl.u32 v17, $0x13;
	v17 =	vshll.u32 v17, $0xD;
	v14 =	vor.u32 $0x3F800000, v14  }
0xae: {  	v13 =	vor.u32 s31, v0;
	vm2 =	veq.f32 v16, $0.0e+00;
	v14 =	vadd.f32 $-1.000000000e+00, v14  }
0xaf: {  	v17 =	vor.u32 v19, v17;
	v20 =	vadd.s32 v5, v13;
	v16 =	vsel vm2, $0x3F800000, v16  }
0xb0: {  	v17 =	vxor.u32 v18, v17;
	v21 =	vand.u32 $0x7FFFFF, v16;
	vm1 =	veq.f32 v14, $0.0e+00  }
0xb1: {  	v23 =	vshrl.u32 v20, $0x13;
	v19 =	vor.u32 $0x3F800000, v21;
	v14 =	vsel vm1, $0x3F800000, v14  }
0xb2: {  	v21 =	vadd.s32 v8, v20;
	v22 =	vmul.f32 $5.000000000e-01, v19;
	v24 =	vand.u32 $0x7FFFFF, v14  }
0xb3: {  	v20 =	vshll.u32 v20, $0xD;
	vm3 =	vge.f32 v19, $1.414213540e+00;
	v24 =	vor.u32 $0x3F800000, v24  }
0xb4: {  	v20 =	vor.u32 v23, v20;
	v19 =	vsel vm3, v22, v19;
	v22 =	vmul.f32 $5.000000000e-01, v24  }
0xb5: {  	v20 =	vxor.u32 v21, v20;
	vm4 =	vge.f32 v24, $1.414213540e+00;
	v25 =	vadd.f32 $1.000000000e+00, v19  }
0xb6: {  	v23 =	vshrl.u32 v17, $0x11;
	v26 =	vshrl.u32 v20, $0x11;
	v22 =	vsel vm4, v22, v24  }
0xb7: {  	v24 =	vshll.u32 v17, $0xF;
	(erf) = vrcp.f32 v25;
	v25 =	vadd.f32 $1.000000000e+00, v22  }
0xb8: {  	v19 =	vadd.f32 $-1.000000000e+00, v19;
	v17 =	vadd.s32 v18, v17;
	v18 =	vor.u32 v23, v24  }
0xb9: {  	v23 =	vshll.u32 v20, $0xF;
	v18 =	vxor.u32 v17, v18;
	(erf) = vrcp.f32 v25  }
0xba: {  	v20 =	vadd.s32 v21, v20;
	v21 =	vor.u32 v26, v23;
	v23 =	vshrl.u32 v18, $0x6  }
0xbb: {  	v24 =	vshll.u32 v18, $0x1A;
	v17 =	vadd.s32 v17, v18;
	v18 =	vxor.u32 v20, v21  }
0xbc: {  	v21 =	vor.u32 v23, v24;
	v23 =	vshrl.u32 v18, $0x6;
	v24 =	vshll.u32 v18, $0x1A  }
0xbd: {  	v18 =	vadd.s32 v20, v18;
	v21 =	vxor.u32 v17, v21;
	v20 =	vor.u32 v23, v24  }
0xbe: {  	v17 =	vadd.s32 v17, v21;
	v23 =	vshrl.u32 v21, $0x1A;
	v21 =	vshll.u32 v21, $0x6  }
0xbf: {  	v22 =	vadd.f32 $-1.000000000e+00, v22;
	v20 =	vxor.u32 v18, v20;
	v21 =	vor.u32 v23, v21  }
0xc0: {  	v24 =	vadd.s32 v5, v17;
	v18 =	vadd.s32 v18, v20;
	v26 =	vshrl.u32 v20, $0x1A;
	v25 =	vpop (erf)  }
0xc1: {  	v20 =	vshll.u32 v20, $0x6;
	v17 =	vxor.u32 v17, v21;
	v19 =	vmul.f32 v25, v19  }
0xc2: {  	v20 =	vor.u32 v26, v20;
	v23 =	vadd.s32 v5, v18;
	v17 =	vadd.s32 v12, v17;
	v21 =	vpop (erf)  }
0xc3: {  	v18 =	vxor.u32 v18, v20;
	v25 =	vmul.f32 v19, v19;
	v21 =	vmul.f32 v21, v22  }
0xc4: {  	v14 =	vshrl.u32 v14, $0x17;
	v20 =	vshrl.u32 v17, $0xF;
	v18 =	vadd.s32 v12, v18  }
0xc5: {  	v26 =	vshll.u32 v17, $0x11;
	v22 =	vmul.f32 $2.222222240e-01, v25;
	v27 =	vmul.f32 v21, v21  }
0xc6: {  	v17 =	vadd.s32 v17, v24;
	v28 =	vshrl.u32 v18, $0xF;
	v20 =	vor.u32 v20, v26  }
0xc7: {  	v24 =	vshll.u32 v18, $0x11;
	v22 =	vadd.f32 $2.857142980e-01, v22;
	v26 =	vmul.f32 $2.222222240e-01, v27  }
0xc8: {  	v63 =	vsel vm4, $0x1, v1;
	v18 =	vadd.s32 v18, v23;
	v23 =	vor.u32 v28, v24  }
0xc9: {  	v20 =	vxor.u32 v17, v20;
	v22 =	vmul.f32 v22, v25;
	v24 =	vadd.f32 $2.857142980e-01, v26  }
0xca: {  	v17 =	vadd.s32 v17, v20;
	v23 =	vxor.u32 v18, v23;
	v26 =	vshrl.u32 v20, $0x3  }
0xcb: {  	v20 =	vshll.u32 v20, $0x1D;
	v22 =	vadd.f32 $4.000000060e-01, v22;
	v24 =	vmul.f32 v24, v27  }
0xcc: {  	v18 =	vadd.s32 v18, v23;
	v20 =	vor.u32 v26, v20;
	v26 =	vshrl.u32 v23, $0x3  }
0xcd: {  	v23 =	vshll.u32 v23, $0x1D;
	v22 =	vmul.f32 v22, v25;
	v24 =	vadd.f32 $4.000000060e-01, v24  }
0xce: {  	v16 =	vshrl.u32 v16, $0x17;
	v14 =	vadd.s32 v63, v14;
	v23 =	vor.u32 v26, v23  }
0xcf: {  	v26 =	vsel vm3, $0x1, v1;
	v22 =	vadd.f32 $6.666666860e-01, v22;
	v24 =	vmul.f32 v24, v27  }
0xd0: {  	v14 =	vadd.s32 $0xFFFFFF81, v14;
	v20 =	vxor.u32 v17, v20;
	v16 =	vadd.s32 v26, v16  }
0xd1: {  	v16 =	vadd.s32 $0xFFFFFF81, v16;
	v22 =	vmul.f32 v22, v25;
	v24 =	vadd.f32 $6.666666860e-01, v24  }
0xd2: {  	v14 =	vcvt.s32.f32 v14;
	v17 =	vadd.s32 v17, v20;
	v16 =	vcvt.s32.f32 v16  }
0xd3: {  	v23 =	vxor.u32 v18, v23;
	v22 =	vadd.f32 $2.000000000e+00, v22;
	v24 =	vmul.f32 v24, v27  }
0xd4: {  	v16 =	vmul.f32 $6.931471820e-01, v16;
	v25 =	vshrl.u32 v20, $0x10;
	v20 =	vshll.u32 v20, $0x10  }
0xd5: {  	v20 =	vor.u32 v25, v20;
	v19 =	vmul.f32 v22, v19;
	v22 =	vadd.f32 $2.000000000e+00, v24  }
0xd6: {  	v14 =	vmul.f32 $6.931471820e-01, v14;
	v26 =	vshll.u32 v23, $0x10;
	v25 =	vxor.u32 v17, v20  }
0xd7: {  	v24 =	vshrl.u32 v23, $0x10;
	v16 =	vadd.f32 v19, v16;
	v19 =	vmul.f32 v22, v21  }
0xd8: {  	v20 =	vadd.s32 v17, v25;
	v21 =	vadd.s32 v18, v23;
	v18 =	vor.u32 v24, v26  }
0xd9: {  	v23 =	vshrl.u32 v25, $0x8;
	v16 =	vsub.f32 $0.0e+00, v16;
	v14 =	vadd.f32 v19, v14  }
0xda: {  	v24 =	vshll.u32 v25, $0x18;
	v22 =	vxor.u32 v21, v18;
	v19 =	vadd.s32 v4, v20  }
0xdb: {  	s17 =	simm.s32 $0x100;
	s15 =	simm.s32 $0x0;
	s14 =	simm.s32 $0x80;
	v18 =	vand.u32 $0x7FFFFF, v16;
	v17 =	vsub.f32 $0.0e+00, v14;
	v14 =	vimm.s32 $0x0  }
.LBB2_2:
0xdc: {  	p0 =	sne.s32 s17, $0xB80;
	v21 =	vadd.s32 v21, v22;
	v23 =	vor.u32 v23, v24;
	v18 =	vor.u32 $0x3F800000, v18  }
0xdd: {  	v24 =	vshrl.u32 v22, $0x8;
	v25 =	vmul.f32 $5.000000000e-01, v18;
	v26 =	vand.u32 $0x7FFFFF, v17  }
0xde: {  	v22 =	vshll.u32 v22, $0x18;
	vm3 =	vge.f32 v18, $1.414213540e+00;
	v26 =	vor.u32 $0x3F800000, v26  }
0xdf: {  	v27 =	vadd.s32 v4, v21;
	v18 =	vsel vm3, v25, v18;
	v25 =	vmul.f32 $5.000000000e-01, v26  }
0xe0: {  	v20 =	vxor.u32 v20, v23;
	vm4 =	vge.f32 v26, $1.414213540e+00;
	v23 =	vadd.f32 $1.000000000e+00, v18  }
0xe1: {  	v22 =	vor.u32 v24, v22;
	v20 =	vadd.s32 v11, v20;
	v24 =	vsel vm4, v25, v26  }
0xe2: {  	v21 =	vxor.u32 v21, v22;
	v22 =	vadd.f32 $1.000000000e+00, v24;
	(erf) = vrcp.f32 v23  }
0xe3: {  	v19 =	vadd.s32 v20, v19;
	v23 =	vshrl.u32 v20, $0x13;
	v20 =	vshll.u32 v20, $0xD  }
0xe4: {  	v21 =	vadd.s32 v11, v21;
	v20 =	vor.u32 v23, v20;
	(erf) = vrcp.f32 v22  }
0xe5: {  	v23 =	vshll.u32 v21, $0xD;
	v22 =	vshrl.u32 v21, $0x13;
	v20 =	vxor.u32 v19, v20  }
0xe6: {  	v21 =	vadd.s32 v21, v27;
	v22 =	vor.u32 v22, v23;
	v19 =	vadd.s32 v19, v20  }
0xe7: {  	v23 =	vshrl.u32 v20, $0x11;
	v20 =	vshll.u32 v20, $0xF;
	v22 =	vxor.u32 v21, v22  }
0xe8: {  	v20 =	vor.u32 v23, v20;
	v25 =	vshrl.u32 v22, $0x11;
	v26 =	vshll.u32 v22, $0xF  }
0xe9: {  	v21 =	vadd.s32 v21, v22;
	v20 =	vxor.u32 v19, v20;
	v22 =	vor.u32 v25, v26  }
0xea: {  	v18 =	vadd.f32 $-1.000000000e+00, v18;
	v26 =	vshrl.u32 v20, $0x6;
	v25 =	vshll.u32 v20, $0x1A  }
0xeb: {  	v19 =	vadd.s32 v19, v20;
	v22 =	vxor.u32 v21, v22;
	v20 =	vor.u32 v26, v25;
	v23 =	vpop (erf)  }
0xec: {  	v21 =	vadd.s32 v21, v22;
	v18 =	vmul.f32 v23, v18;
	v23 =	vadd.f32 $-1.000000000e+00, v24  }
0xed: {  	v20 =	vxor.u32 v19, v20;
	v24 =	vshrl.u32 v22, $0x6;
	v22 =	vshll.u32 v22, $0x1A;
	v25 =	vpop (erf)  }
0xee: {  	v22 =	vor.u32 v24, v22;
	v24 =	vmul.f32 v18, v18;
	v23 =	vmul.f32 v25, v23  }
0xef: {  	v19 =	vadd.s32 v19, v20;
	v25 =	vshrl.u32 v20, $0x1A;
	v20 =	vshll.u32 v20, $0x6  }
0xf0: {  	v22 =	vxor.u32 v21, v22;
	v26 =	vmul.f32 $2.222222240e-01, v24;
	v27 =	vmul.f32 v23, v23  }
0xf1: {  	v28 =	vshrl.u32 v22, $0x1A;
	v20 =	vor.u32 v25, v20;
	v25 =	vadd.s32 v8, v19  }
0xf2: {  	v29 =	vshll.u32 v22, $0x6;
	v26 =	vadd.f32 $2.857142980e-01, v26;
	v30 =	vmul.f32 $2.222222240e-01, v27  }
0xf3: {  	v21 =	vadd.s32 v21, v22;
	v22 =	vor.u32 v28, v29;
	v19 =	vxor.u32 v19, v20  }
0xf4: {  	v19 =	vadd.s32 v9, v19;
	v20 =	vmul.f32 v26, v24;
	v26 =	vadd.f32 $2.857142980e-01, v30  }
0xf5: {  	v22 =	vxor.u32 v21, v22;
	v21 =	vadd.s32 v8, v21;
	v28 =	vshrl.u32 v19, $0xF  }
0xf6: {  	v29 =	vshll.u32 v19, $0x11;
	v20 =	vadd.f32 $4.000000060e-01, v20;
	v26 =	vmul.f32 v26, v27  }
0xf7: {  	v22 =	vadd.s32 v9, v22;
	v19 =	vadd.s32 v19, v25;
	v25 =	vor.u32 v28, v29  }
0xf8: {  	v21 =	vadd.s32 v22, v21;
	v20 =	vmul.f32 v20, v24;
	v26 =	vadd.f32 $4.000000060e-01, v26  }
0xf9: {  	v17 =	vshrl.u32 v17, $0x17;
	v28 =	vshrl.u32 v22, $0xF;
	v22 =	vshll.u32 v22, $0x11  }
0xfa: {  	v29 =	vsel vm4, $0x1, v1;
	v20 =	vadd.f32 $6.666666860e-01, v20;
	v26 =	vmul.f32 v26, v27  }
0xfb: {  	v16 =	vshrl.u32 v16, $0x17;
	v30 =	vsel vm3, $0x1, v1;
	v17 =	vadd.s32 v29, v17  }
0xfc: {  	v16 =	vadd.s32 v30, v16;
	v20 =	vmul.f32 v20, v24;
	v24 =	vadd.f32 $6.666666860e-01, v26  }
0xfd: {  	v25 =	vxor.u32 v19, v25;
	v17 =	vadd.s32 $0xFFFFFF81, v17;
	v16 =	vadd.s32 $0xFFFFFF81, v16  }
0xfe: {  	s18 =	sshra.s32 s15, $0x2;
	s15 =	smov.u32 s14;
	s14 =	smov.u32 s17;
	v16 =	vcvt.s32.f32 v16;
	v20 =	vadd.f32 $2.000000000e+00, v20;
	v24 =	vmul.f32 v24, v27  }
0xff: {  	v22 =	vor.u32 v28, v22;
	v19 =	vadd.s32 v19, v25;
	v17 =	vcvt.s32.f32 v17;
	v26 =	vld [tilespmem:s18+$0x10]  }
0x100: {  	v16 =	vmul.f32 $6.931471820e-01, v16;
	v18 =	vmul.f32 v20, v18;
	v20 =	vadd.f32 $2.000000000e+00, v24  }
0x101: {  	v22 =	vxor.u32 v21, v22;
	v24 =	vshrl.u32 v25, $0x3;
	v25 =	vshll.u32 v25, $0x1D;
	v27 =	vld [tilespmem:s18+$0x20]  }
0x102: {  	v17 =	vmul.f32 $6.931471820e-01, v17;
	v16 =	vadd.f32 v18, v16;
	v18 =	vmul.f32 v20, v23  }
0x103: {  	v24 =	vor.u32 v24, v25;
	v20 =	vshrl.u32 v22, $0x3;
	v23 =	vshll.u32 v22, $0x1D  }
0x104: {  	v24 =	vxor.u32 v19, v24;
	v16 =	vsub.f32 v16, v26;
	v17 =	vadd.f32 v18, v17  }
0x105: {  	v20 =	vor.u32 v20, v23;
	v19 =	vadd.s32 v19, v24;
	v18 =	vadd.s32 v21, v22  }
0x106: {  	v21 =	vshrl.u32 v24, $0x10;
	v16 =	vsel vm2, $0x7F61B1E6, v16;
	v17 =	vsub.f32 v17, v27  }
0x107: {  	v22 =	vshll.u32 v24, $0x10;
	v20 =	vxor.u32 v18, v20;
	vm2 =	vlt.f32 v16, v6  }
0x108: {  	v6 =	vsel vm2, v16, v6;
	v14 =	vsel vm2, v3, v14;
	v16 =	vsel vm1, $0x7F61B1E6, v17;
	v3 =	vmovc v13  }
0x109: {  	v13 =	vshrl.u32 v20, $0x10;
	v17 =	vor.u32 v21, v22;
	vm1 =	vlt.f32 v16, v6  }
0x10a: {  	v21 =	vshll.u32 v20, $0x10;
	v6 =	vsel vm1, v16, v6;
	v14 =	vsel vm1, v2, v14;
	v2 =	vmovc v10  }
0x10b: {  	v13 =	vor.u32 v13, v21;
	v10 =	vadd.s32 v18, v20;
	v16 =	vxor.u32 v19, v17  }
0x10c: {  	v17 =	vadd.s32 v19, v16;
	v18 =	vshrl.u32 v16, $0x8;
	v16 =	vshll.u32 v16, $0x18  }
0x10d: {  	v13 =	vxor.u32 v10, v13;
	v16 =	vor.u32 v18, v16;
	v18 =	vadd.s32 v5, v17  }
0x10e: {  	v19 =	vshrl.u32 v13, $0x8;
	v20 =	vshll.u32 v13, $0x18;
	v16 =	vxor.u32 v17, v16  }
0x10f: {  	v10 =	vadd.s32 v10, v13;
	v13 =	vor.u32 v19, v20;
	v16 =	vadd.s32 v7, v16  }
0x110: {  	v13 =	vxor.u32 v10, v13;
	v10 =	vadd.s32 v5, v10;
	v17 =	vadd.s32 v16, v18  }
0x111: {  	v13 =	vadd.s32 v7, v13;
	v18 =	vshrl.u32 v16, $0x13;
	v16 =	vshll.u32 v16, $0xD  }
0x112: {  	v19 =	vshrl.u32 v13, $0x13;
	v20 =	vshll.u32 v13, $0xD;
	v16 =	vor.u32 v18, v16  }
0x113: {  	v10 =	vadd.s32 v13, v10;
	v13 =	vor.u32 v19, v20;
	v16 =	vxor.u32 v17, v16  }
0x114: {  	v13 =	vxor.u32 v10, v13;
	v17 =	vadd.s32 v17, v16;
	v18 =	vshrl.u32 v16, $0x11  }
0x115: {  	v16 =	vshll.u32 v16, $0xF;
	v19 =	vshrl.u32 v13, $0x11;
	v20 =	vshll.u32 v13, $0xF  }
0x116: {  	v10 =	vadd.s32 v10, v13;
	v16 =	vor.u32 v18, v16;
	v13 =	vor.u32 v19, v20  }
0x117: {  	v16 =	vxor.u32 v17, v16;
	v13 =	vxor.u32 v10, v13  }
0x118: {  	v20 =	vshrl.u32 v16, $0x6;
	v18 =	vshrl.u32 v13, $0x6;
	v19 =	vshll.u32 v13, $0x1A  }
0x119: {  	v10 =	vadd.s32 v10, v13;
	v13 =	vor.u32 v18, v19;
	v18 =	vshll.u32 v16, $0x1A  }
0x11a: {  	v16 =	vadd.s32 v17, v16;
	v13 =	vxor.u32 v10, v13;
	v17 =	vor.u32 v20, v18  }
0x11b: {  	v18 =	vshrl.u32 v13, $0x1A;
	v19 =	vshll.u32 v13, $0x6;
	v17 =	vxor.u32 v16, v17  }
0x11c: {  	v10 =	vadd.s32 v10, v13;
	v13 =	vor.u32 v18, v19;
	v16 =	vadd.s32 v16, v17  }
0x11d: {  	v18 =	vshrl.u32 v17, $0x1A;
	v17 =	vshll.u32 v17, $0x6;
	v13 =	vxor.u32 v10, v13  }
0x11e: {  	v10 =	vadd.s32 v4, v10;
	v17 =	vor.u32 v18, v17;
	v13 =	vadd.s32 v15, v13  }
0x11f: {  	v10 =	vxor.u32 v10, v13;
	v13 =	vxor.u32 v16, v17  }
0x120: {  	s16 =	sadd.s32 $0x20, s16;
	v16 =	vadd.s32 v4, v16;
	v17 =	vshrl.u32 v10, $0x9;
	v13 =	vadd.s32 v15, v13  }
0x121: {  	v10 =	vor.u32 s16, v0;
	v17 =	vor.u32 $0x3F800000, v17;
	v13 =	vxor.u32 v16, v13  }
0x122: {  	s18 =	sadd.s32 $0xFFFFFFF0, s16;
	v16 =	vadd.s32 v5, v10;
	v17 =	vadd.f32 $-1.000000000e+00, v17;
	v18 =	vshrl.u32 v13, $0x9  }
0x123: {  	v13 =	vor.u32 s18, v0;
	v19 =	vadd.s32 v8, v16;
	v18 =	vor.u32 $0x3F800000, v18  }
0x124: {  	v20 =	vshrl.u32 v16, $0x13;
	vm2 =	veq.f32 v17, $0.0e+00;
	v18 =	vadd.f32 $-1.000000000e+00, v18  }
0x125: {  	v22 =	vshll.u32 v16, $0xD;
	v21 =	vadd.s32 v5, v13;
	v16 =	vsel vm2, $0x3F800000, v17  }
0x126: {  	v17 =	vor.u32 v20, v22;
	v20 =	vand.u32 $0x7FFFFF, v16;
	vm1 =	veq.f32 v18, $0.0e+00  }
0x127: {  	v22 =	vadd.s32 v8, v21;
	v20 =	vor.u32 $0x3F800000, v20;
	v18 =	vsel vm1, $0x3F800000, v18  }
0x128: {  	v23 =	vshrl.u32 v21, $0x13;
	v24 =	vmul.f32 $5.000000000e-01, v20;
	v25 =	vand.u32 $0x7FFFFF, v18  }
0x129: {  	v21 =	vshll.u32 v21, $0xD;
	vm3 =	vge.f32 v20, $1.414213540e+00;
	v25 =	vor.u32 $0x3F800000, v25  }
0x12a: {  	v17 =	vxor.u32 v19, v17;
	v20 =	vsel vm3, v24, v20;
	v24 =	vmul.f32 $5.000000000e-01, v25  }
0x12b: {  	v21 =	vor.u32 v23, v21;
	vm4 =	vge.f32 v25, $1.414213540e+00;
	v23 =	vadd.f32 $1.000000000e+00, v20  }
0x12c: {  	v26 =	vshrl.u32 v17, $0x11;
	v27 =	vshll.u32 v17, $0xF;
	v24 =	vsel vm4, v24, v25  }
0x12d: {  	v21 =	vxor.u32 v22, v21;
	v25 =	vadd.f32 $1.000000000e+00, v24;
	(erf) = vrcp.f32 v23  }
0x12e: {  	v17 =	vadd.s32 v19, v17;
	v19 =	vor.u32 v26, v27;
	v23 =	vshrl.u32 v21, $0x11  }
0x12f: {  	v26 =	vshll.u32 v21, $0xF;
	v19 =	vxor.u32 v17, v19;
	(erf) = vrcp.f32 v25  }
0x130: {  	v17 =	vadd.s32 v17, v19;
	v21 =	vadd.s32 v22, v21;
	v22 =	vor.u32 v23, v26  }
0x131: {  	v23 =	vshrl.u32 v19, $0x6;
	v19 =	vshll.u32 v19, $0x1A;
	v22 =	vxor.u32 v21, v22  }
0x132: {  	v19 =	vor.u32 v23, v19;
	v25 =	vshrl.u32 v22, $0x6;
	v26 =	vshll.u32 v22, $0x1A  }
0x133: {  	v21 =	vadd.s32 v21, v22;
	v19 =	vxor.u32 v17, v19;
	v22 =	vor.u32 v25, v26  }
0x134: {  	v17 =	vadd.s32 v17, v19;
	v27 =	vshrl.u32 v19, $0x1A;
	v19 =	vshll.u32 v19, $0x6  }
0x135: {  	v20 =	vadd.f32 $-1.000000000e+00, v20;
	v22 =	vxor.u32 v21, v22;
	v25 =	vadd.s32 v5, v17  }
0x136: {  	v27 =	vor.u32 v27, v19;
	v21 =	vadd.s32 v21, v22;
	v26 =	vshrl.u32 v22, $0x1A;
	v23 =	vpop (erf)  }
0x137: {  	v22 =	vshll.u32 v22, $0x6;
	v20 =	vmul.f32 v23, v20;
	v23 =	vadd.f32 $-1.000000000e+00, v24  }
0x138: {  	v17 =	vxor.u32 v17, v27;
	v22 =	vor.u32 v26, v22;
	v24 =	vadd.s32 v5, v21;
	v19 =	vpop (erf)  }
0x139: {  	v17 =	vadd.s32 v12, v17;
	v26 =	vmul.f32 v20, v20;
	v19 =	vmul.f32 v19, v23  }
0x13a: {  	v21 =	vxor.u32 v21, v22;
	v22 =	vshrl.u32 v17, $0xF;
	v23 =	vshll.u32 v17, $0x11  }
0x13b: {  	v21 =	vadd.s32 v12, v21;
	v27 =	vmul.f32 $2.222222240e-01, v26;
	v28 =	vmul.f32 v19, v19  }
0x13c: {  	v29 =	vshrl.u32 v21, $0xF;
	v17 =	vadd.s32 v17, v25;
	v22 =	vor.u32 v22, v23  }
0x13d: {  	v23 =	vshll.u32 v21, $0x11;
	v25 =	vadd.f32 $2.857142980e-01, v27;
	v27 =	vmul.f32 $2.222222240e-01, v28  }
0x13e: {  	v21 =	vadd.s32 v21, v24;
	v23 =	vor.u32 v29, v23;
	v22 =	vxor.u32 v17, v22  }
0x13f: {  	v17 =	vadd.s32 v17, v22;
	v24 =	vmul.f32 v25, v26;
	v25 =	vadd.f32 $2.857142980e-01, v27  }
0x140: {  	v23 =	vxor.u32 v21, v23;
	v27 =	vshrl.u32 v22, $0x3;
	v22 =	vshll.u32 v22, $0x1D  }
0x141: {  	v22 =	vor.u32 v27, v22;
	v24 =	vadd.f32 $4.000000060e-01, v24;
	v25 =	vmul.f32 v25, v28  }
0x142: {  	v21 =	vadd.s32 v21, v23;
	v27 =	vshrl.u32 v23, $0x3;
	v23 =	vshll.u32 v23, $0x1D  }
0x143: {  	v22 =	vxor.u32 v17, v22;
	v24 =	vmul.f32 v24, v26;
	v25 =	vadd.f32 $4.000000060e-01, v25  }
0x144: {  	v18 =	vshrl.u32 v18, $0x17;
	v23 =	vor.u32 v27, v23;
	v17 =	vadd.s32 v17, v22  }
0x145: {  	v27 =	vsel vm4, $0x1, v1;
	v24 =	vadd.f32 $6.666666860e-01, v24;
	v25 =	vmul.f32 v25, v28  }
0x146: {  	v16 =	vshrl.u32 v16, $0x17;
	v29 =	vsel vm3, $0x1, v1;
	v18 =	vadd.s32 v27, v18  }
0x147: {  	v16 =	vadd.s32 v29, v16;
	v24 =	vmul.f32 v24, v26;
	v25 =	vadd.f32 $6.666666860e-01, v25  }
0x148: {  	v16 =	vadd.s32 $0xFFFFFF81, v16;
	v18 =	vadd.s32 $0xFFFFFF81, v18;
	v26 =	vshrl.u32 v22, $0x10  }
0x149: {  	v16 =	vcvt.s32.f32 v16;
	v24 =	vadd.f32 $2.000000000e+00, v24;
	v25 =	vmul.f32 v25, v28  }
0x14a: {  	v23 =	vxor.u32 v21, v23;
	v18 =	vcvt.s32.f32 v18;
	v22 =	vshll.u32 v22, $0x10  }
0x14b: {  	v16 =	vmul.f32 $6.931471820e-01, v16;
	v20 =	vmul.f32 v24, v20;
	v24 =	vadd.f32 $2.000000000e+00, v25  }
0x14c: {  	v27 =	vshll.u32 v23, $0x10;
	v22 =	vor.u32 v26, v22;
	v25 =	vshrl.u32 v23, $0x10  }
.Ltmp0:
0x14d: {  	v18 =	vmul.f32 $6.931471820e-01, v18;
	v16 =	vadd.f32 v20, v16;
	v19 =	vmul.f32 v24, v19;
	(pc) =	sbr.rel @p0 .LBB2_2-.Ltmp0, $4  }
0x14e: {  	v21 =	vadd.s32 v21, v23;
	v23 =	vor.u32 v25, v27;
	v24 =	vxor.u32 v17, v22  }
0x14f: {  	v20 =	vadd.s32 v17, v24;
	v16 =	vsub.f32 $0.0e+00, v16;
	v17 =	vadd.f32 v19, v18  }
0x150: {  	v22 =	vxor.u32 v21, v23;
	v23 =	vshrl.u32 v24, $0x8;
	v24 =	vshll.u32 v24, $0x18  }
0x151: {  	s17 =	sadd.s32 $0x80, s17;
	v19 =	vadd.s32 v4, v20;
	v18 =	vand.u32 $0x7FFFFF, v16;
	v17 =	vsub.f32 $0.0e+00, v17  }
0x152: {  	v12 =	vor.u32 v23, v24;
	v55 =	vshrl.u32 v22, $0x8;
	v56 =	vshll.u32 v22, $0x18  }
0x153: {  	v21 =	vadd.s32 v21, v22;
	v12 =	vxor.u32 v20, v12;
	v57 =	vor.u32 v55, v56  }
0x154: {  	v22 =	vadd.s32 v4, v21;
	v12 =	vadd.s32 v11, v12;
	v20 =	vxor.u32 v21, v57  }
0x155: {  	v58 =	vshrl.u32 v12, $0x13;
	v59 =	vshll.u32 v12, $0xD;
	v60 =	vadd.s32 v11, v20  }
0x156: {  	v12 =	vadd.s32 v12, v19;
	v61 =	vor.u32 v58, v59;
	v20 =	vshrl.u32 v60, $0x13  }
0x157: {  	v62 =	vshll.u32 v60, $0xD;
	v11 =	vadd.s32 v60, v22;
	v19 =	vxor.u32 v12, v61  }
0x158: {  	v20 =	vor.u32 v20, v62;
	v63 =	vshrl.u32 v19, $0x11;
	v24 =	vshll.u32 v19, $0xF  }
0x159: {  	v12 =	vadd.s32 v12, v19;
	v25 =	vxor.u32 v11, v20;
	v26 =	vor.u32 v63, v24  }
0x15a: {  	v27 =	vshrl.u32 v25, $0x11;
	v28 =	vshll.u32 v25, $0xF;
	v20 =	vxor.u32 v12, v26  }
0x15b: {  	v11 =	vadd.s32 v11, v25;
	v29 =	vor.u32 v27, v28;
	v30 =	vshrl.u32 v20, $0x6  }
0x15c: {  	v31 =	vshll.u32 v20, $0x1A;
	v19 =	vxor.u32 v11, v29;
	v12 =	vadd.s32 v12, v20  }
0x15d: {  	v32 =	vor.u32 v30, v31;
	v33 =	vshrl.u32 v19, $0x6;
	v34 =	vshll.u32 v19, $0x1A  }
0x15e: {  	v11 =	vadd.s32 v11, v19;
	v35 =	vxor.u32 v12, v32;
	v36 =	vor.u32 v33, v34  }
0x15f: {  	v12 =	vadd.s32 v12, v35;
	v20 =	vxor.u32 v11, v36  }
0x160: {  	v37 =	vshrl.u32 v35, $0x1A;
	v19 =	vshll.u32 v35, $0x6;
	v38 =	vshrl.u32 v20, $0x1A  }
0x161: {  	v19 =	vor.u32 v37, v19;
	v39 =	vadd.s32 v8, v12;
	v40 =	vshll.u32 v20, $0x6  }
0x162: {  	v11 =	vadd.s32 v11, v20;
	v41 =	vor.u32 v38, v40;
	v12 =	vxor.u32 v12, v19  }
0x163: {  	v43 =	vadd.s32 v8, v11;
	v12 =	vadd.s32 v9, v12;
	v42 =	vxor.u32 v11, v41  }
0x164: {  	v44 =	vshrl.u32 v12, $0xF;
	v45 =	vshll.u32 v12, $0x11;
	v46 =	vadd.s32 v9, v42  }
0x165: {  	v12 =	vadd.s32 v12, v39;
	v11 =	vor.u32 v44, v45;
	v8 =	vadd.s32 v46, v43  }
0x166: {  	v19 =	vshrl.u32 v46, $0xF;
	v9 =	vshll.u32 v46, $0x11;
	v11 =	vxor.u32 v12, v11  }
0x167: {  	v9 =	vor.u32 v19, v9;
	v47 =	vshrl.u32 v11, $0x3;
	v48 =	vshll.u32 v11, $0x1D  }
0x168: {  	v11 =	vadd.s32 v12, v11;
	v9 =	vxor.u32 v8, v9;
	v49 =	vor.u32 v47, v48  }
0x169: {  	v50 =	vshrl.u32 v9, $0x3;
	v51 =	vshll.u32 v9, $0x1D;
	v12 =	vxor.u32 v11, v49  }
0x16a: {  	v8 =	vadd.s32 v8, v9;
	v52 =	vor.u32 v50, v51;
	v11 =	vadd.s32 v11, v12  }
0x16b: {  	v53 =	vshrl.u32 v12, $0x10;
	v9 =	vxor.u32 v8, v52;
	v12 =	vshll.u32 v12, $0x10  }
0x16c: {  	v54 =	vshrl.u32 v9, $0x10;
	v12 =	vor.u32 v53, v12;
	v55 =	vshll.u32 v9, $0x10  }
0x16d: {  	v8 =	vadd.s32 v8, v9;
	v56 =	vor.u32 v54, v55;
	v12 =	vxor.u32 v11, v12  }
0x16e: {  	v11 =	vadd.s32 v11, v12;
	v57 =	vshrl.u32 v12, $0x8;
	v12 =	vshll.u32 v12, $0x18  }
0x16f: {  	v9 =	vxor.u32 v8, v56;
	v12 =	vor.u32 v57, v12;
	v58 =	vadd.s32 v5, v11  }
0x170: {  	v59 =	vshrl.u32 v9, $0x8;
	v60 =	vshll.u32 v9, $0x18;
	v11 =	vxor.u32 v11, v12  }
0x171: {  	v8 =	vadd.s32 v8, v9;
	v61 =	vor.u32 v59, v60;
	v11 =	vadd.s32 v7, v11  }
0x172: {  	v62 =	vadd.s32 v5, v8;
	v9 =	vxor.u32 v8, v61;
	v63 =	vadd.s32 v11, v58  }
0x173: {  	v21 =	vadd.s32 v7, v9;
	v22 =	vshrl.u32 v11, $0x13;
	v11 =	vshll.u32 v11, $0xD  }
0x174: {  	v23 =	vshrl.u32 v21, $0x13;
	v24 =	vshll.u32 v21, $0xD;
	v9 =	vor.u32 v22, v11  }
0x175: {  	v5 =	vadd.s32 v21, v62;
	v25 =	vor.u32 v23, v24;
	v9 =	vxor.u32 v63, v9  }
0x176: {  	v7 =	vxor.u32 v5, v25;
	v8 =	vadd.s32 v63, v9;
	v26 =	vshrl.u32 v9, $0x11  }
0x177: {  	v9 =	vshll.u32 v9, $0xF;
	v27 =	vshrl.u32 v7, $0x11;
	v28 =	vshll.u32 v7, $0xF  }
0x178: {  	v5 =	vadd.s32 v5, v7;
	v9 =	vor.u32 v26, v9;
	v29 =	vor.u32 v27, v28  }
0x179: {  	v9 =	vxor.u32 v8, v9;
	v7 =	vxor.u32 v5, v29  }
0x17a: {  	v32 =	vshrl.u32 v9, $0x6;
	v30 =	vshrl.u32 v7, $0x6;
	v31 =	vshll.u32 v7, $0x1A  }
0x17b: {  	v34 =	vshll.u32 v9, $0x1A;
	v5 =	vadd.s32 v5, v7;
	v33 =	vor.u32 v30, v31  }
0x17c: {  	v8 =	vadd.s32 v8, v9;
	v35 =	vor.u32 v32, v34;
	v7 =	vxor.u32 v5, v33  }
0x17d: {  	v9 =	vxor.u32 v8, v35;
	v36 =	vshrl.u32 v7, $0x1A;
	v37 =	vshll.u32 v7, $0x6  }
0x17e: {  	v8 =	vadd.s32 v8, v9;
	v5 =	vadd.s32 v5, v7;
	v38 =	vor.u32 v36, v37  }
0x17f: {  	v39 =	vshrl.u32 v9, $0x1A;
	v9 =	vshll.u32 v9, $0x6;
	v7 =	vxor.u32 v5, v38  }
0x180: {  	v9 =	vor.u32 v39, v9;
	v5 =	vadd.s32 v4, v5;
	v7 =	vadd.s32 v15, v7  }
0x181: {  	v40 =	vxor.u32 v8, v9;
	v5 =	vxor.u32 v5, v7  }
0x182: {  	v41 =	vadd.s32 v4, v8;
	v7 =	vadd.s32 v15, v40;
	v5 =	vshrl.u32 v5, $0x9  }
0x183: {  	v4 =	vxor.u32 v41, v7;
	v5 =	vor.u32 $0x3F800000, v5  }
0x184: {  	v42 =	vor.u32 $0x3F800000, v18;
	v4 =	vshrl.u32 v4, $0x9;
	v5 =	vadd.f32 $-1.000000000e+00, v5  }
0x185: {  	v43 =	vmul.f32 $5.000000000e-01, v42;
	v44 =	vand.u32 $0x7FFFFF, v17;
	v4 =	vor.u32 $0x3F800000, v4  }
0x186: {  	v9 =	vor.u32 $0x3F800000, v44;
	v4 =	vadd.f32 $-1.000000000e+00, v4;
	vm3 =	veq.f32 v5, $0.0e+00  }
0x187: {  	vm5 =	vge.f32 v42, $1.414213540e+00;
	v45 =	vmul.f32 $5.000000000e-01, v9;
	v5 =	vsel vm3, $0x3F800000, v5  }
0x188: {  	vm6 =	vge.f32 v9, $1.414213540e+00;
	vm4 =	veq.f32 v4, $0.0e+00;
	v46 =	vand.u32 $0x7FFFFF, v5  }
0x189: {  	v8 =	vsel vm6, v45, v9;
	v4 =	vsel vm4, $0x3F800000, v4;
	v11 =	vor.u32 $0x3F800000, v46  }
0x18a: {  	v7 =	vsel vm5, v43, v42;
	v49 =	vand.u32 $0x7FFFFF, v4;
	v48 =	vmul.f32 $5.000000000e-01, v11  }
0x18b: {  	v47 =	vadd.f32 $1.000000000e+00, v7;
	vm7 =	vge.f32 v11, $1.414213540e+00;
	v50 =	vor.u32 $0x3F800000, v49  }
0x18c: {  	v51 =	vadd.f32 $1.000000000e+00, v8;
	v52 =	vmul.f32 $5.000000000e-01, v50;
	v11 =	vsel vm7, v48, v11  }
0x18d: {  	(erf) = vrcp.f32 v47;
	vm8 =	vge.f32 v50, $1.414213540e+00;
	v53 =	vadd.f32 $1.000000000e+00, v11  }
0x18e: {  	(erf) = vrcp.f32 v51;
	v9 =	vsel vm8, v52, v50  }
0x18f: {  	v15 =	vadd.f32 $1.000000000e+00, v9;
	(erf) = vrcp.f32 v53;
	_ =	sdelay $0x1  }
0x190: {  	(erf) = vrcp.f32 v15;
	_ =	sdelay $0x4  }
0x191: {  	v54 =	vpop (erf)  }
0x192: {  	v11 =	vadd.f32 $-1.000000000e+00, v11;
	v55 =	vpop (erf)  }
0x193: {  	v56 =	vpop (erf)  }
0x194: {  	v9 =	vadd.f32 $-1.000000000e+00, v9;
	v11 =	vmul.f32 v56, v11  }
0x195: {  	v57 =	vpop (erf)  }
0x196: {  	v9 =	vmul.f32 v57, v9;
	v58 =	vmul.f32 v11, v11;
	_ =	sdelay $0x1  }
0x197: {  	v60 =	vmul.f32 v9, v9;
	v59 =	vmul.f32 $2.222222240e-01, v58;
	_ =	sdelay $0x1  }
0x198: {  	v61 =	vmul.f32 $2.222222240e-01, v60;
	v18 =	vadd.f32 $2.857142980e-01, v59;
	_ =	sdelay $0x1  }
0x199: {  	v21 =	vadd.f32 $2.857142980e-01, v61;
	v18 =	vmul.f32 v18, v58;
	_ =	sdelay $0x1  }
0x19a: {  	v21 =	vmul.f32 v21, v60;
	v18 =	vadd.f32 $4.000000060e-01, v18;
	_ =	sdelay $0x1  }
0x19b: {  	v21 =	vadd.f32 $4.000000060e-01, v21;
	v18 =	vmul.f32 v18, v58  }
0x19c: {  	v5 =	vshrl.u32 v5, $0x17  }
0x19d: {  	v63 =	vsel vm7, $0x1, v1;
	v21 =	vmul.f32 v21, v60;
	v18 =	vadd.f32 $6.666666860e-01, v18  }
0x19e: {  	v4 =	vshrl.u32 v4, $0x17;
	v62 =	vsel vm8, $0x1, v1;
	v5 =	vadd.s32 v63, v5  }
0x19f: {  	v4 =	vadd.s32 v62, v4;
	v24 =	vadd.f32 $6.666666860e-01, v21;
	v18 =	vmul.f32 v18, v58  }
0x1a0: {  	v5 =	vadd.s32 $0xFFFFFF81, v5;
	v4 =	vadd.s32 $0xFFFFFF81, v4  }
0x1a1: {  	v5 =	vcvt.s32.f32 v5;
	v19 =	vmul.f32 v24, v60;
	v18 =	vadd.f32 $2.000000000e+00, v18  }
0x1a2: {  	v4 =	vcvt.s32.f32 v4  }
0x1a3: {  	v5 =	vmul.f32 $6.931471820e-01, v5;
	v25 =	vadd.f32 $2.000000000e+00, v19;
	v11 =	vmul.f32 v18, v11;
	_ =	sdelay $0x1  }
0x1a4: {  	v4 =	vmul.f32 $6.931471820e-01, v4;
	v9 =	vmul.f32 v25, v9;
	v5 =	vadd.f32 v11, v5;
	_ =	sdelay $0x1  }
0x1a5: {  	v4 =	vadd.f32 v9, v4;
	v5 =	vsub.f32 $0.0e+00, v5;
	_ =	sdelay $0x1  }
0x1a6: {  	v4 =	vsub.f32 $0.0e+00, v4;
	v26 =	vand.u32 $0x7FFFFF, v5  }
0x1a7: {  	v9 =	vor.u32 $0x3F800000, v26  }
0x1a8: {  	v28 =	vand.u32 $0x7FFFFF, v4;
	v27 =	vmul.f32 $5.000000000e-01, v9  }
0x1a9: {  	vm14 =	vge.f32 v9, $1.414213540e+00;
	v18 =	vor.u32 $0x3F800000, v28  }
0x1aa: {  	v7 =	vadd.f32 $-1.000000000e+00, v7;
	v29 =	vmul.f32 $5.000000000e-01, v18;
	v9 =	vsel vm14, v27, v9  }
0x1ab: {  	vm15 =	vge.f32 v18, $1.414213540e+00;
	v30 =	vadd.f32 $1.000000000e+00, v9  }
0x1ac: {  	v7 =	vmul.f32 v54, v7;
	v11 =	vsel vm15, v29, v18  }
0x1ad: {  	v31 =	vadd.f32 $1.000000000e+00, v11;
	(erf) = vrcp.f32 v30  }
0x1ae: {  	v32 =	vmul.f32 v7, v7  }
0x1af: {  	(erf) = vrcp.f32 v31  }
0x1b0: {  	v33 =	vmul.f32 $2.222222240e-01, v32;
	_ =	sdelay $0x1  }
0x1b1: {  	v8 =	vadd.f32 $-1.000000000e+00, v8;
	v12 =	vadd.f32 $2.857142980e-01, v33;
	_ =	sdelay $0x1  }
0x1b2: {  	v8 =	vmul.f32 v55, v8;
	v12 =	vmul.f32 v12, v32  }
0x1b3: {  	v16 =	vshrl.u32 v16, $0x17;
	v9 =	vadd.f32 $-1.000000000e+00, v9  }
0x1b4: {  	v39 =	vsel vm5, $0x1, v1;
	v15 =	vmul.f32 v8, v8;
	v12 =	vadd.f32 $4.000000060e-01, v12;
	v35 =	vpop (erf)  }
0x1b5: {  	v16 =	vadd.s32 v39, v16;
	v11 =	vadd.f32 $-1.000000000e+00, v11;
	v9 =	vmul.f32 v35, v9  }
0x1b6: {  	v16 =	vadd.s32 $0xFFFFFF81, v16;
	v34 =	vmul.f32 $2.222222240e-01, v15;
	v12 =	vmul.f32 v12, v32;
	v36 =	vpop (erf)  }
0x1b7: {  	v37 =	vsel vm6, $0x1, v1;
	v11 =	vmul.f32 v36, v11;
	v38 =	vmul.f32 v9, v9  }
0x1b8: {  	v16 =	vcvt.s32.f32 v16;
	v12 =	vadd.f32 $6.666666860e-01, v12;
	v19 =	vadd.f32 $2.857142980e-01, v34  }
0x1b9: {  	v40 =	vshrl.u32 v17, $0x17;
	v42 =	vmul.f32 v11, v11;
	v41 =	vmul.f32 $2.222222240e-01, v38  }
0x1ba: {  	v17 =	vadd.s32 v37, v40;
	v12 =	vmul.f32 v12, v32;
	v19 =	vmul.f32 v19, v15  }
0x1bb: {  	v16 =	vmul.f32 $6.931471820e-01, v16;
	v44 =	vmul.f32 $2.222222240e-01, v42;
	v43 =	vadd.f32 $2.857142980e-01, v41  }
0x1bc: {  	v17 =	vadd.s32 $0xFFFFFF81, v17;
	v12 =	vadd.f32 $2.000000000e+00, v12;
	v19 =	vadd.f32 $4.000000060e-01, v19  }
0x1bd: {  	v17 =	vcvt.s32.f32 v17;
	v47 =	vadd.f32 $2.857142980e-01, v44;
	v46 =	vmul.f32 v43, v38  }
0x1be: {  	v7 =	vmul.f32 v12, v7;
	v19 =	vmul.f32 v19, v15  }
0x1bf: {  	v49 =	vmul.f32 v47, v42;
	v48 =	vadd.f32 $4.000000060e-01, v46  }
0x1c0: {  	s15 =	sshra.s32 s15, $0x2;
	v53 =	vmul.f32 $6.931471820e-01, v17;
	v7 =	vadd.f32 v7, v16;
	v45 =	vadd.f32 $6.666666860e-01, v19  }
0x1c1: {  	v52 =	vld [tilespmem:s15+$0x10];
	v5 =	vshrl.u32 v5, $0x17;
	v19 =	vadd.f32 $4.000000060e-01, v49;
	v18 =	vmul.f32 v48, v38  }
0x1c2: {  	v4 =	vshrl.u32 v4, $0x17;
	v15 =	vmul.f32 v45, v15;
	v51 =	vsel vm14, $0x1, v1  }
0x1c3: {  	v50 =	vsel vm15, $0x1, v1;
	v55 =	vmul.f32 v19, v42;
	v54 =	vadd.f32 $6.666666860e-01, v18  }
0x1c4: {  	v5 =	vadd.s32 v51, v5;
	v15 =	vadd.f32 $2.000000000e+00, v15;
	v4 =	vadd.s32 v50, v4  }
0x1c5: {  	v5 =	vadd.s32 $0xFFFFFF81, v5;
	v58 =	vadd.f32 $6.666666860e-01, v55;
	v57 =	vmul.f32 v54, v38  }
0x1c6: {  	v56 =	vld [tilespmem:s15+$0x20];
	v7 =	vsub.f32 v7, v52;
	v4 =	vadd.s32 $0xFFFFFF81, v4;
	v5 =	vcvt.s32.f32 v5  }
0x1c7: {  	s14 =	sshra.s32 s14, $0x2;
	v8 =	vmul.f32 v15, v8;
	v17 =	vmul.f32 v58, v42;
	v12 =	vadd.f32 $2.000000000e+00, v57  }
0x1c8: {  	v59 =	vld [tilespmem:s14+$0x10];
	v7 =	vsel vm2, $0x7F61B1E6, v7;
	v4 =	vcvt.s32.f32 v4;
	v5 =	vmul.f32 $6.931471820e-01, v5  }
0x1c9: {  	v8 =	vadd.f32 v8, v53;
	v60 =	vadd.f32 $2.000000000e+00, v17;
	v9 =	vmul.f32 v12, v9  }
0x1ca: {  	v61 =	vld [tilespmem:s14+$0x20];
	vm2 =	vlt.f32 v7, v6;
	v4 =	vmul.f32 $6.931471820e-01, v4  }
0x1cb: {  	v8 =	vsub.f32 v8, v56;
	v62 =	vmul.f32 v60, v11;
	v5 =	vadd.f32 v9, v5  }
0x1cc: {  	v6 =	vsel vm2, v7, v6  }
0x1cd: {  	v63 =	vsel vm1, $0x7F61B1E6, v8;
	v4 =	vadd.f32 v62, v4;
	v5 =	vsub.f32 v5, v59  }
0x1ce: {  	vm1 =	vlt.f32 v63, v6  }
0x1cf: {  	v6 =	vsel vm1, v63, v6;
	v4 =	vsub.f32 v4, v61;
	v5 =	vsel vm3, $0x7F61B1E6, v5  }
0x1d0: {  	vm3 =	vlt.f32 v5, v6  }
0x1d1: {  	v4 =	vsel vm4, $0x7F61B1E6, v4;
	v5 =	vsel vm3, v5, v6  }
0x1d2: {  	vm4 =	vlt.f32 v4, v5  }
0x1d3: {  	v4 =	vsel vm4, v4, v5  }
0x1d4: {  	(xrf0) =	vmin.scan.msk.f32 $0xffff, v4;
	_ =	sdelay $0x2  }
0x1d5: {  	v3 =	vsel vm2, v3, v14;
	_ =	sdelay $0x2  }
0x1d6: {  	v2 =	vsel vm1, v2, v3;
	v3, _, _ =	vpop (xrf0)  }
0x1d7: {  	v2 =	vsel vm3, v13, v2;
	v3 =	vbroadcast v3, $0xF  }
0x1d8: {  	v2 =	vsel vm4, v10, v2  }
0x1d9: {  	v2 =	vxor.u32 $0x80000000, v2;
	vm1 =	veq.f32 v4, v3  }
0x1da: {  	v2 =	vnsel vm1, $0xC0000000, v2  }
0x1db: {  	(xrf0) =	vmin.scan.msk.u32 $0xffff, v2;
	_ =	sdelay $0x5  }
0x1dc: {  	v2, _, _ =	vpop (xrf0)  }
0x1dd: {  	(v2sf) =	vpush v2, $0xF;
	_ =	sdelay $0xe  }
0x1de: {  	s31 =	spop (v2sf)  }
0x1df: {  	s14 =	sxor.u32 $0x80000000, s31  }
0x1e0: {  	s14 =	scvt.s32.f32 s14;
	_ =	sdelay $0x1  }
0x1e1: {  	[tilespmem:$0x310] =	vst v3;
	v2 =	vmov s14  }
0x1e2: {  	[tilespmem:$0x320] =	vst v2  }
0x1e3: {  	[hbm4b:s5+s2] =	stream.linear.scatter [tilespmem:s11], [sflag:$0x1], $0x10, $0x38;
	[tilespmem:$0x330] =	vst v63  }
0x1e4: {  	s13 =	sadd.s32 $0x1, s13;
	_ =	swait.ge [sflag:s9], $0x10  }
0x1e5: {  	p0 =	sne.s32 s13, s7;
	[sflag:s9] =	ssyncset.done $0x0  }
.Ltmp1:
0x1e6: {  	[sflag:s9] =	ssyncadd.s32 $0xFFFFFFF0;
	(pc) =	sbr.rel @p0 .LBB2_1-.Ltmp1, $4  }
0x1e7: {  	[hbm4b:s6+s2] =	stream.linear.scatter [tilespmem:s12], [sflag:$0x1], $0x10, $0x38;
	[tilespmem:$0x330] =	vst v63  }
0x1e8: {  	_ =	swait.ge [sflag:s9], $0x10  }
0x1e9: {  	[sflag:s9] =	ssyncset.done $0x0  }
0x1ea: {  	[sflag:s9] =	ssyncadd.s32 $0xFFFFFFF0  }
0x1eb: {  	_ =	sfence.sel $0x180000  }
0x1ec: {  	[bflag:$0x0] =	sbarrier.arrive $0xFFFF  }
0x1ed: {  	p0 =	sne.s32 s1, $0x0;
	_ =	strace $0x90000047  }
0x1ee: {  	s0 =	sadd.s32 @!p0 $0x100000, s0;
	[bflag:$0x2] =	sbarrier.arrive $0xFFFF  }
0x1ef: {  	[sflag:s0] =	ssyncadd.tile.s32 @!p0 $0x1;
	_ =	shalt  }
.Lfunc_end2:
_tile_overlayer_lowered:
.L_overlay_start_2:
0x1f0: {  	(tag) =	ssettag $0x2  }
0x1f1: {  	s0 =	rddreg [dreg:$0x0];
	s2 =	stileid.u32  }
0x1f2: {  	s1 =	rddreg [dreg:$0x1];
	p0 =	sne.s32 s2, $0x0  }
0x1f3: {  	s3 =	rddreg [dreg:$0x2];
	[bflag:$0x3] =	sbarrier.arrive $0xFFFF;
	s2 =	simm.s32 @!p0 $0x1C01  }
0x1f4: {  	[timem:s3], [sflag:s2] =	dma.local @!p0 [hbm:s0], s1  }
0x1f5: {  	s0 =	simm.s32 @!p0 $0x1  }
0x1f6: {  	_ =	swait.ge @!p0 [sflag:s0], s1  }
0x1f7: {  	s1 =	ssub.s32 @!p0 $0x0, s1;
	[sflag:s0] =	ssyncset.done @!p0 $0x0  }
0x1f8: {  	[sflag:s0] =	ssyncadd.s32 @!p0 s1  }
0x1f9: {  	[bflag:$0x3] =	sbarrier.arrive $0xFFFF  }
0x1fa: {  	_ =	shalt  }

</sc_bundles>
